<compile_context>
chip_gen: v7x
topology: tpu7x:2x2x1
jax: 0.10.2.dev20260603
libtpu: 0.0.44.dev20260713+nightly
codegen_flags: <defaults>
</compile_context>

<pallas_src>
import functools

import jax
import jax.numpy as jnp
from jax import lax
from jax.experimental import pallas as pl
from jax.experimental.pallas import tpu as pltpu
from jax.experimental.pallas import tpu_sc as plsc

_VOXEL_SIZE = 0.05
_NUM_DISTS = 512
_GRID = 21
_V = _GRID ** 3
_VPAD = 9264
_NUM_CH = 10
_LANES = 16


def _bin_body(xt_ref, spt_ref, flat_ref, nb_ref):
    pts = xt_ref[0]
    mn = jnp.min(pts, axis=1, keepdims=True)
    vox = jnp.clip(jnp.floor((pts - mn) / _VOXEL_SIZE).astype(jnp.int32),
                   0, _GRID - 1)
    flat_ref[0] = (vox[0:1] * (_GRID * _GRID) + vox[1:2] * _GRID + vox[2:3])
    sp = spt_ref[0]
    svox = jnp.clip(jnp.floor((sp - mn) / _VOXEL_SIZE).astype(jnp.int32),
                    0, _GRID - 1)
    nb_ref[0] = (svox[0:1] * (_GRID * _GRID) + svox[1:2] * _GRID + svox[2:3])


def _fin_body(p_ref, o_ref):
    p = p_ref[0]
    cnt = jnp.maximum(p[0:1], 1.0)
    m0 = p[1:2] / cnt
    m1 = p[2:3] / cnt
    m2 = p[3:4] / cnt
    c00 = p[4:5] / cnt - m0 * m0
    c01 = p[5:6] / cnt - m0 * m1
    c02 = p[6:7] / cnt - m0 * m2
    c11 = p[7:8] / cnt - m1 * m1
    c12 = p[8:9] / cnt - m1 * m2
    c22 = p[9:10] / cnt - m2 * m2
    o_ref[0] = jnp.concatenate(
        [m0, m1, m2, c00, c01, c02, c01, c11, c12, c02, c12, c22], axis=0)


def _sc_body(ntask, xt_hbm, flat_hbm, nb_hbm, out_hbm,
             flat_v, ra_v, rb_v, table_v, nb_v, row_v):
    n = flat_v.shape[0]
    k = nb_v.shape[0]
    nc = 2
    wid = lax.axis_index("s") * nc + lax.axis_index("c")
    nw = 32
    for slot in range((ntask + nw - 1) // nw):
        t = wid + slot * nw

        @pl.when(t < ntask)
        def _task():
            b = ((t >= 10).astype(jnp.int32) + (t >= 20).astype(jnp.int32)
                 + (t >= 30).astype(jnp.int32))
            c = t - 10 * b
            d1 = jnp.where(c < 4, jnp.maximum(c - 1, 0),
                           jnp.where(c < 7, 0, jnp.where(c < 9, 1, 2)))
            d2 = jnp.where(c < 4, 0,
                           jnp.where(c < 7, c - 4, jnp.where(c < 9, c - 6, 2)))
            pltpu.sync_copy(flat_hbm.at[b, 0], flat_v)
            pltpu.sync_copy(xt_hbm.at[b, d1], ra_v)
            pltpu.sync_copy(xt_hbm.at[b, d2], rb_v)

            def zb(i, carry):
                table_v[pl.ds(i * _LANES, _LANES)] = jnp.zeros(
                    (_LANES,), jnp.float32)
                return carry
            lax.fori_loop(0, _VPAD // _LANES, zb, 0)

            is_count = c == 0
            is_linear = c < 4

            def sb(i, carry):
                s = pl.ds(i * _LANES, _LANES)
                idx = flat_v[s]
                a = ra_v[s]
                bb = rb_v[s]
                val = jnp.where(is_linear, a, a * bb)
                val = jnp.where(is_count,
                                jnp.ones((_LANES,), jnp.float32), val)
                plsc.addupdate_scatter(table_v, [idx], val)
                return carry
            lax.fori_loop(0, n // _LANES, sb, 0)

            pltpu.sync_copy(nb_hbm.at[b, 0], nb_v)

            def gb(i, carry):
                s = pl.ds(i * _LANES, _LANES)
                row_v[s] = plsc.load_gather(table_v, [nb_v[s]])
                return carry
            lax.fori_loop(0, k // _LANES, gb, 0)

            pltpu.sync_copy(row_v, out_hbm.at[b, c])


def kernel(x):
    B, N, _ = x.shape
    K = _NUM_DISTS

    skeys = jax.random.split(jax.random.key(42), B)
    sampled_idx = jax.vmap(
        lambda kk: jax.random.permutation(kk, N)[:K])(skeys)
    sampled_pcd = jnp.take_along_axis(x, sampled_idx[..., None], axis=1)

    xt = jnp.transpose(x, (0, 2, 1))
    spt = jnp.transpose(sampled_pcd, (0, 2, 1))

    flat, nb = pl.pallas_call(
        _bin_body,
        grid=(B,),
        in_specs=[
            pl.BlockSpec((1, 3, N), lambda b: (b, 0, 0)),
            pl.BlockSpec((1, 3, K), lambda b: (b, 0, 0)),
        ],
        out_specs=[
            pl.BlockSpec((1, 1, N), lambda b: (b, 0, 0)),
            pl.BlockSpec((1, 1, K), lambda b: (b, 0, 0)),
        ],
        out_shape=[
            jax.ShapeDtypeStruct((B, 1, N), jnp.int32),
            jax.ShapeDtypeStruct((B, 1, K), jnp.int32),
        ],
    )(xt, spt)

    ntask = B * _NUM_CH
    mesh = plsc.VectorSubcoreMesh(core_axis_name="c", subcore_axis_name="s",
                                  num_cores=2, num_subcores=16)
    partial = pl.kernel(
        functools.partial(_sc_body, ntask),
        out_type=jax.ShapeDtypeStruct((B, _NUM_CH, K), jnp.float32),
        mesh=mesh,
        compiler_params=pltpu.CompilerParams(needs_layout_passes=False),
        scratch_types=[
            pltpu.VMEM((N,), jnp.int32),
            pltpu.VMEM((N,), jnp.float32),
            pltpu.VMEM((N,), jnp.float32),
            pltpu.VMEM((_VPAD,), jnp.float32),
            pltpu.VMEM((K,), jnp.int32),
            pltpu.VMEM((K,), jnp.float32),
        ],
    )(xt, flat, nb)

    out12 = pl.pallas_call(
        _fin_body,
        grid=(B,),
        in_specs=[pl.BlockSpec((1, _NUM_CH, K), lambda b: (b, 0, 0))],
        out_specs=pl.BlockSpec((1, 12, K), lambda b: (b, 0, 0)),
        out_shape=jax.ShapeDtypeStruct((B, 12, K), jnp.float32),
    )(partial)

    return jnp.transpose(out12, (0, 2, 1))

# --- scband reference (transcript-rebuilt; emitter-appended) ---
"""Pipeline reference for scband-voxelizer-66005057405413 (READ-ONLY COPY).

The authoritative reference and input builder live on the scoring server;
editing this copy changes nothing except your own understanding.
"""

import jax, jax.numpy as jnp
import numpy as np

VOXEL_SIZE = 0.05
NUM_DISTS = 512
GRID = 21  # points are uniform in [0,1)^3 so floor(range/voxel_size) <= 20


def _voxel_idx(pts, min_coords):
    idx = jnp.floor((pts - min_coords) / VOXEL_SIZE).astype(jnp.int32)
    return jnp.clip(idx, 0, GRID - 1)


def setup_inputs(seed: int = 0) -> dict:
    key = jax.random.key(seed)
    x = jax.random.uniform(key, (4, 16384, 3), dtype=jnp.float32)
    return {"x": x}


def reference(x):
    B, N, _ = x.shape
    V = GRID ** 3
    pts = x[:, :, :3]

    # --- estimate_normal_distributions_with_size (mean_dims=3, estimate_covariances=True) ---
    min_coords = jnp.min(pts, axis=1, keepdims=True)  # (B,1,3)
    vox = _voxel_idx(pts, min_coords)                 # (B,N,3)
    flat = vox[..., 0] * GRID * GRID + vox[..., 1] * GRID + vox[..., 2]  # (B,N)

    def seg_sum(data, ids):
        return jax.vmap(lambda d, i: jax.ops.segment_sum(d, i, num_segments=V))(data, ids)

    counts = seg_sum(jnp.ones((B, N), dtype=x.dtype), flat)[..., None]   # (B,V,1)
    sums = seg_sum(pts, flat)                                            # (B,V,3)
    outer = (pts[:, :, :, None] * pts[:, :, None, :]).reshape(B, N, 9)
    sums2 = seg_sum(outer, flat)                                         # (B,V,9)
    cnt = jnp.maximum(counts, 1.0)
    mean = sums / cnt
    cov = sums2 / cnt - (mean[:, :, :, None] * mean[:, :, None, :]).reshape(B, V, 9)
    dists = jnp.concatenate([mean, cov], axis=-1).reshape(B, GRID, GRID, GRID, 12)

    # --- metric_to_voxel_space for the full point cloud ---
    voxel_idxs_pcd = vox  # (B,N,3)

    # --- random_sample_point_cloud (deterministic internal key, as torch samples internally) ---
    skeys = jax.random.split(jax.random.key(42), B)
    sampled_idx = jax.vmap(lambda k: jax.random.permutation(k, N)[:NUM_DISTS])(skeys)  # (B,K)
    sampled_pcd = jnp.take_along_axis(x, sampled_idx[..., None], axis=1)               # (B,K,3)

    nb = _voxel_idx(sampled_pcd[:, :, :3], min_coords)  # (B,K,3)
    filtered = dists[jnp.arange(B)[:, None], nb[..., 0], nb[..., 1], nb[..., 2]]       # (B,K,12)

    # --- point -> sampled-dist matching (computed in torch forward, not returned) ---
    flat_nb = nb[..., 0] * GRID * GRID + nb[..., 1] * GRID + nb[..., 2]  # (B,K)
    mask = flat[:, :, None] == flat_nb[:, None, :]                       # (B,N,K) == all-dims coord match
    no_match = jnp.all(~mask, axis=-1)
    point_to_dist = jnp.argmax(mask.astype(jnp.int32), axis=-1)
    point_to_dist = jnp.where(no_match, -1, point_to_dist)
    _ = point_to_dist  # torch only prints this; output is filtered dists

    return filtered

if __name__ == "__main__":
    import jax
    _d = setup_inputs()
    print(jax.jit(kernel)(*tuple(_d.values())))

</pallas_src>

<mosaic_0001>
#map = affine_map<(d0, d1) -> (0, 0, 0)>
module attributes {stable_mosaic.version = 14 : i64} {
  func.func @_sc_body(%arg0: i32, %arg1: i32, %arg2: memref<4x3x16384xf32, #tpu.memory_space<hbm>>, %arg3: memref<4x1x16384xi32, #tpu.memory_space<hbm>>, %arg4: memref<4x1x512xi32, #tpu.memory_space<hbm>>, %arg5: memref<4x10x512xf32, #tpu.memory_space<hbm>>, %arg6: memref<16384xi32, #tpu.memory_space<vmem>>, %arg7: memref<16384xf32, #tpu.memory_space<vmem>>, %arg8: memref<16384xf32, #tpu.memory_space<vmem>>, %arg9: memref<9264xf32, #tpu.memory_space<vmem>>, %arg10: memref<512xi32, #tpu.memory_space<vmem>>, %arg11: memref<512xf32, #tpu.memory_space<vmem>>) attributes {dimension_semantics = [#tpu.dimension_semantics<core_parallel>, #tpu.dimension_semantics<subcore_parallel>], iteration_bounds = array<i64: 2, 16>, scalar_prefetch = 0 : i64, scratch_operands = 6 : i64, tpu.core_type = #tpu.core_type<sc_vector_subcore>, window_params = [{transform_indices = #map}, {transform_indices = #map}, {transform_indices = #map}, {transform_indices = #map}]} {
    %mul3A = arith.constant 2 : i32
    %mul3A_0 = arith.muli %arg1, %mul3A : i32
    %add3A = arith.addi %mul3A_0, %arg0 : i32
    %add3A_1 = arith.constant 0 : i32
    %add3A_2 = arith.addi %add3A, %add3A_1 : i32
    %lt3A = arith.constant 40 : i32
    %lt3A_3 = arith.cmpi slt, %add3A_2, %lt3A : i32
    %convert_element_type3A = arith.extui %lt3A_3 : i1 to i32
    %cond3A = arith.constant 0 : i32
    %cond3A_4 = arith.cmpi ne, %convert_element_type3A, %cond3A : i32
    scf.if %cond3A_4 {
      %ge3A = arith.constant 10 : i32
      %ge3A_12 = arith.cmpi sge, %add3A_2, %ge3A : i32
      %convert_element_type3A_13 = arith.extui %ge3A_12 : i1 to i32
      %ge3A_14 = arith.constant 20 : i32
      %ge3A_15 = arith.cmpi sge, %add3A_2, %ge3A_14 : i32
      %convert_element_type3A_16 = arith.extui %ge3A_15 : i1 to i32
      %add3A_17 = arith.addi %convert_element_type3A_13, %convert_element_type3A_16 : i32
      %ge3A_18 = arith.constant 30 : i32
      %ge3A_19 = arith.cmpi sge, %add3A_2, %ge3A_18 : i32
      %convert_element_type3A_20 = arith.extui %ge3A_19 : i1 to i32
      %add3A_21 = arith.addi %add3A_17, %convert_element_type3A_20 : i32
      %mul3A_22 = arith.constant 10 : i32
      %mul3A_23 = arith.muli %mul3A_22, %add3A_21 : i32
      %sub3A = arith.subi %add3A_2, %mul3A_23 : i32
      %lt3A_24 = arith.constant 4 : i32
      %lt3A_25 = arith.cmpi slt, %sub3A, %lt3A_24 : i32
      %sub3A_26 = arith.constant 1 : i32
      %sub3A_27 = arith.subi %sub3A, %sub3A_26 : i32
      %max3A = arith.constant 0 : i32
      %max3A_28 = arith.maxsi %sub3A_27, %max3A : i32
      %lt3A_29 = arith.constant 7 : i32
      %lt3A_30 = arith.cmpi slt, %sub3A, %lt3A_29 : i32
      %lt3A_31 = arith.constant 9 : i32
      %lt3A_32 = arith.cmpi slt, %sub3A, %lt3A_31 : i32
      %jit3A = arith.constant 1 : i32
      %jit3A_33 = arith.constant 2 : i32
      %select_n3A = arith.select %lt3A_32, %jit3A, %jit3A_33 : i32
      %jit3A_34 = arith.constant 0 : i32
      %select_n3A_35 = arith.select %lt3A_30, %jit3A_34, %select_n3A : i32
      %select_n3A_36 = arith.select %lt3A_25, %max3A_28, %select_n3A_35 : i32
      %lt3A_37 = arith.constant 4 : i32
      %lt3A_38 = arith.cmpi slt, %sub3A, %lt3A_37 : i32
      %lt3A_39 = arith.constant 7 : i32
      %lt3A_40 = arith.cmpi slt, %sub3A, %lt3A_39 : i32
      %sub3A_41 = arith.constant 4 : i32
      %sub3A_42 = arith.subi %sub3A, %sub3A_41 : i32
      %lt3A_43 = arith.constant 9 : i32
      %lt3A_44 = arith.cmpi slt, %sub3A, %lt3A_43 : i32
      %sub3A_45 = arith.constant 6 : i32
      %sub3A_46 = arith.subi %sub3A, %sub3A_45 : i32
      %jit3A_47 = arith.constant 2 : i32
      %select_n3A_48 = arith.select %lt3A_44, %sub3A_46, %jit3A_47 : i32
      %select_n3A_49 = arith.select %lt3A_40, %sub3A_42, %select_n3A_48 : i32
      %jit3A_50 = arith.constant 0 : i32
      %select_n3A_51 = arith.select %lt3A_38, %jit3A_50, %select_n3A_49 : i32
      %run_scoped3A = arith.constant 0 : i32
      "tpu.region"() ({
        %run_scoped3A_73 = tpu.sem_alloc : memref<!tpu.dma_semaphore, #tpu.memory_space<semaphore_mem>>
        %dma_start3A = arith.constant 0 : i32
        %dma_start3A_74 = tpu.memref_slice %arg3[%add3A_21, %run_scoped3A, %dma_start3A] : memref<4x1x16384xi32, #tpu.memory_space<hbm>> -> memref<1x1x16384xi32, #tpu.memory_space<hbm>>
        %dma_start3A_75 = tpu.memref_squeeze %dma_start3A_74 : memref<1x1x16384xi32, #tpu.memory_space<hbm>> -> memref<16384xi32, #tpu.memory_space<hbm>>
        %dma_start3A_76 = arith.constant 0 : i32
        %dma_start3A_77 = tpu.memref_slice %arg3[%add3A_21, %run_scoped3A, %dma_start3A_76] : memref<4x1x16384xi32, #tpu.memory_space<hbm>> -> memref<1x1x16384xi32, #tpu.memory_space<hbm>>
        %dma_start3A_78 = tpu.memref_squeeze %dma_start3A_77 : memref<1x1x16384xi32, #tpu.memory_space<hbm>> -> memref<16384xi32, #tpu.memory_space<hbm>>
        tpu.enqueue_dma source(%dma_start3A_78 : memref<16384xi32, #tpu.memory_space<hbm>>) target(%arg6 : memref<16384xi32, #tpu.memory_space<vmem>>) target_semaphore(%run_scoped3A_73 : memref<!tpu.dma_semaphore, #tpu.memory_space<semaphore_mem>>)
        %dma_wait3A = arith.constant 0 : i32
        %dma_wait3A_79 = tpu.memref_slice %arg3[%add3A_21, %run_scoped3A, %dma_wait3A] : memref<4x1x16384xi32, #tpu.memory_space<hbm>> -> memref<1x1x16384xi32, #tpu.memory_space<hbm>>
        %dma_wait3A_80 = tpu.memref_squeeze %dma_wait3A_79 : memref<1x1x16384xi32, #tpu.memory_space<hbm>> -> memref<16384xi32, #tpu.memory_space<hbm>>
        %dma_wait3A_81 = arith.constant 0 : i32
        %dma_wait3A_82 = tpu.memref_slice %arg3[%add3A_21, %run_scoped3A, %dma_wait3A_81] : memref<4x1x16384xi32, #tpu.memory_space<hbm>> -> memref<1x1x16384xi32, #tpu.memory_space<hbm>>
        %dma_wait3A_83 = tpu.memref_squeeze %dma_wait3A_82 : memref<1x1x16384xi32, #tpu.memory_space<hbm>> -> memref<16384xi32, #tpu.memory_space<hbm>>
        tpu.wait_dma2 semaphore(%run_scoped3A_73 : memref<!tpu.dma_semaphore, #tpu.memory_space<semaphore_mem>>) src(%dma_wait3A_83 : memref<16384xi32, #tpu.memory_space<hbm>>) dst(%arg6 : memref<16384xi32, #tpu.memory_space<vmem>>)
        tpu.yield
      }) : () -> ()
      "tpu.region"() ({
        %run_scoped3A_73 = tpu.sem_alloc : memref<!tpu.dma_semaphore, #tpu.memory_space<semaphore_mem>>
        %dma_start3A = arith.constant 0 : i32
        %dma_start3A_74 = tpu.memref_slice %arg2[%add3A_21, %select_n3A_36, %dma_start3A] : memref<4x3x16384xf32, #tpu.memory_space<hbm>> -> memref<1x1x16384xf32, #tpu.memory_space<hbm>>
        %dma_start3A_75 = tpu.memref_squeeze %dma_start3A_74 : memref<1x1x16384xf32, #tpu.memory_space<hbm>> -> memref<16384xf32, #tpu.memory_space<hbm>>
        %dma_start3A_76 = arith.constant 0 : i32
        %dma_start3A_77 = tpu.memref_slice %arg2[%add3A_21, %select_n3A_36, %dma_start3A_76] : memref<4x3x16384xf32, #tpu.memory_space<hbm>> -> memref<1x1x16384xf32, #tpu.memory_space<hbm>>
        %dma_start3A_78 = tpu.memref_squeeze %dma_start3A_77 : memref<1x1x16384xf32, #tpu.memory_space<hbm>> -> memref<16384xf32, #tpu.memory_space<hbm>>
        tpu.enqueue_dma source(%dma_start3A_78 : memref<16384xf32, #tpu.memory_space<hbm>>) target(%arg7 : memref<16384xf32, #tpu.memory_space<vmem>>) target_semaphore(%run_scoped3A_73 : memref<!tpu.dma_semaphore, #tpu.memory_space<semaphore_mem>>)
        %dma_wait3A = arith.constant 0 : i32
        %dma_wait3A_79 = tpu.memref_slice %arg2[%add3A_21, %select_n3A_36, %dma_wait3A] : memref<4x3x16384xf32, #tpu.memory_space<hbm>> -> memref<1x1x16384xf32, #tpu.memory_space<hbm>>
        %dma_wait3A_80 = tpu.memref_squeeze %dma_wait3A_79 : memref<1x1x16384xf32, #tpu.memory_space<hbm>> -> memref<16384xf32, #tpu.memory_space<hbm>>
        %dma_wait3A_81 = arith.constant 0 : i32
        %dma_wait3A_82 = tpu.memref_slice %arg2[%add3A_21, %select_n3A_36, %dma_wait3A_81] : memref<4x3x16384xf32, #tpu.memory_space<hbm>> -> memref<1x1x16384xf32, #tpu.memory_space<hbm>>
        %dma_wait3A_83 = tpu.memref_squeeze %dma_wait3A_82 : memref<1x1x16384xf32, #tpu.memory_space<hbm>> -> memref<16384xf32, #tpu.memory_space<hbm>>
        tpu.wait_dma2 semaphore(%run_scoped3A_73 : memref<!tpu.dma_semaphore, #tpu.memory_space<semaphore_mem>>) src(%dma_wait3A_83 : memref<16384xf32, #tpu.memory_space<hbm>>) dst(%arg7 : memref<16384xf32, #tpu.memory_space<vmem>>)
        tpu.yield
      }) : () -> ()
      "tpu.region"() ({
        %run_scoped3A_73 = tpu.sem_alloc : memref<!tpu.dma_semaphore, #tpu.memory_space<semaphore_mem>>
        %dma_start3A = arith.constant 0 : i32
        %dma_start3A_74 = tpu.memref_slice %arg2[%add3A_21, %select_n3A_51, %dma_start3A] : memref<4x3x16384xf32, #tpu.memory_space<hbm>> -> memref<1x1x16384xf32, #tpu.memory_space<hbm>>
        %dma_start3A_75 = tpu.memref_squeeze %dma_start3A_74 : memref<1x1x16384xf32, #tpu.memory_space<hbm>> -> memref<16384xf32, #tpu.memory_space<hbm>>
        %dma_start3A_76 = arith.constant 0 : i32
        %dma_start3A_77 = tpu.memref_slice %arg2[%add3A_21, %select_n3A_51, %dma_start3A_76] : memref<4x3x16384xf32, #tpu.memory_space<hbm>> -> memref<1x1x16384xf32, #tpu.memory_space<hbm>>
        %dma_start3A_78 = tpu.memref_squeeze %dma_start3A_77 : memref<1x1x16384xf32, #tpu.memory_space<hbm>> -> memref<16384xf32, #tpu.memory_space<hbm>>
        tpu.enqueue_dma source(%dma_start3A_78 : memref<16384xf32, #tpu.memory_space<hbm>>) target(%arg8 : memref<16384xf32, #tpu.memory_space<vmem>>) target_semaphore(%run_scoped3A_73 : memref<!tpu.dma_semaphore, #tpu.memory_space<semaphore_mem>>)
        %dma_wait3A = arith.constant 0 : i32
        %dma_wait3A_79 = tpu.memref_slice %arg2[%add3A_21, %select_n3A_51, %dma_wait3A] : memref<4x3x16384xf32, #tpu.memory_space<hbm>> -> memref<1x1x16384xf32, #tpu.memory_space<hbm>>
        %dma_wait3A_80 = tpu.memref_squeeze %dma_wait3A_79 : memref<1x1x16384xf32, #tpu.memory_space<hbm>> -> memref<16384xf32, #tpu.memory_space<hbm>>
        %dma_wait3A_81 = arith.constant 0 : i32
        %dma_wait3A_82 = tpu.memref_slice %arg2[%add3A_21, %select_n3A_51, %dma_wait3A_81] : memref<4x3x16384xf32, #tpu.memory_space<hbm>> -> memref<1x1x16384xf32, #tpu.memory_space<hbm>>
        %dma_wait3A_83 = tpu.memref_squeeze %dma_wait3A_82 : memref<1x1x16384xf32, #tpu.memory_space<hbm>> -> memref<16384xf32, #tpu.memory_space<hbm>>
        tpu.wait_dma2 semaphore(%run_scoped3A_73 : memref<!tpu.dma_semaphore, #tpu.memory_space<semaphore_mem>>) src(%dma_wait3A_83 : memref<16384xf32, #tpu.memory_space<hbm>>) dst(%arg8 : memref<16384xf32, #tpu.memory_space<vmem>>)
        tpu.yield
      }) : () -> ()
      %scan3A = arith.constant 0 : i32
      %scan3A_52 = arith.constant 0 : i32
      %scan3A_53 = arith.constant 579 : i32
      %scan3A_54 = arith.addi %scan3A_52, %scan3A_53 : i32
      %scan3A_55 = arith.constant 1 : i32
      scf.for %scan3A_73 = %scan3A_52 to %scan3A_54 step %scan3A_55  : i32 {
        %broadcast_in_dim3A = arith.constant 0.000000e+00 : f32
        %broadcast_in_dim3A_74 = vector.broadcast %broadcast_in_dim3A : f32 to vector<16xf32>
        %mul3A_75 = arith.constant 16 : i32
        %mul3A_76 = arith.muli %scan3A_73, %mul3A_75 : i32
        %swap3A = arith.index_cast %mul3A_76 : i32 to index
        %swap3A_77 = tpu.vector_load %arg9[%swap3A] {strides = array<i32>} : memref<9264xf32, #tpu.memory_space<vmem>>, vector<16xf32>,
        tpu.vector_store %arg9[%swap3A], %broadcast_in_dim3A_74 {strides = array<i32>} : memref<9264xf32, #tpu.memory_space<vmem>>, vector<16xf32>,
      }
      %scan3A_56 = arith.constant 579 : i32
      %eq3A = arith.constant 0 : i32
      %eq3A_57 = arith.cmpi eq, %sub3A, %eq3A : i32
      %lt3A_58 = arith.constant 4 : i32
      %lt3A_59 = arith.cmpi slt, %sub3A, %lt3A_58 : i32
      %scan3A_60 = arith.constant 0 : i32
      %scan3A_61 = arith.constant 0 : i32
      %scan3A_62 = arith.constant 1024 : i32
      %scan3A_63 = arith.addi %scan3A_61, %scan3A_62 : i32
      %scan3A_64 = arith.constant 1 : i32
      scf.for %scan3A_73 = %scan3A_61 to %scan3A_63 step %scan3A_64  : i32 {
        %mul3A_74 = arith.constant 16 : i32
        %mul3A_75 = arith.muli %scan3A_73, %mul3A_74 : i32
        %get3A = arith.index_cast %mul3A_75 : i32 to index
        %get3A_76 = tpu.vector_load %arg6[%get3A] {strides = array<i32>} : memref<16384xi32, #tpu.memory_space<vmem>>, vector<16xi32>,
        %get3A_77 = arith.index_cast %mul3A_75 : i32 to index
        %get3A_78 = tpu.vector_load %arg7[%get3A_77] {strides = array<i32>} : memref<16384xf32, #tpu.memory_space<vmem>>, vector<16xf32>,
        %get3A_79 = arith.index_cast %mul3A_75 : i32 to index
        %get3A_80 = tpu.vector_load %arg8[%get3A_79] {strides = array<i32>} : memref<16384xf32, #tpu.memory_space<vmem>>, vector<16xf32>,
        %mul3A_81 = arith.mulf %get3A_78, %get3A_80 : vector<16xf32>
        %select_n3A_82 = arith.select %lt3A_59, %get3A_78, %mul3A_81 : vector<16xf32>
        %broadcast_in_dim3A = arith.constant 1.000000e+00 : f32
        %broadcast_in_dim3A_83 = vector.broadcast %broadcast_in_dim3A : f32 to vector<16xf32>
        %select_n3A_84 = arith.select %eq3A_57, %broadcast_in_dim3A_83, %select_n3A_82 : vector<16xf32>
        tpu.vector_store_idx %arg9[%get3A_76], %select_n3A_84 {add = true} : memref<9264xf32, #tpu.memory_space<vmem>>[vector<16xi32>], vector<16xf32>,
      }
      %scan3A_65 = arith.constant 1024 : i32
      %run_scoped3A_66 = arith.constant 0 : i32
      "tpu.region"() ({
        %run_scoped3A_73 = tpu.sem_alloc : memref<!tpu.dma_semaphore, #tpu.memory_space<semaphore_mem>>
        %dma_start3A = arith.constant 0 : i32
        %dma_start3A_74 = tpu.memref_slice %arg4[%add3A_21, %run_scoped3A_66, %dma_start3A] : memref<4x1x512xi32, #tpu.memory_space<hbm>> -> memref<1x1x512xi32, #tpu.memory_space<hbm>>
        %dma_start3A_75 = tpu.memref_squeeze %dma_start3A_74 : memref<1x1x512xi32, #tpu.memory_space<hbm>> -> memref<512xi32, #tpu.memory_space<hbm>>
        %dma_start3A_76 = arith.constant 0 : i32
        %dma_start3A_77 = tpu.memref_slice %arg4[%add3A_21, %run_scoped3A_66, %dma_start3A_76] : memref<4x1x512xi32, #tpu.memory_space<hbm>> -> memref<1x1x512xi32, #tpu.memory_space<hbm>>
        %dma_start3A_78 = tpu.memref_squeeze %dma_start3A_77 : memref<1x1x512xi32, #tpu.memory_space<hbm>> -> memref<512xi32, #tpu.memory_space<hbm>>
        tpu.enqueue_dma source(%dma_start3A_78 : memref<512xi32, #tpu.memory_space<hbm>>) target(%arg10 : memref<512xi32, #tpu.memory_space<vmem>>) target_semaphore(%run_scoped3A_73 : memref<!tpu.dma_semaphore, #tpu.memory_space<semaphore_mem>>)
        %dma_wait3A = arith.constant 0 : i32
        %dma_wait3A_79 = tpu.memref_slice %arg4[%add3A_21, %run_scoped3A_66, %dma_wait3A] : memref<4x1x512xi32, #tpu.memory_space<hbm>> -> memref<1x1x512xi32, #tpu.memory_space<hbm>>
        %dma_wait3A_80 = tpu.memref_squeeze %dma_wait3A_79 : memref<1x1x512xi32, #tpu.memory_space<hbm>> -> memref<512xi32, #tpu.memory_space<hbm>>
        %dma_wait3A_81 = arith.constant 0 : i32
        %dma_wait3A_82 = tpu.memref_slice %arg4[%add3A_21, %run_scoped3A_66, %dma_wait3A_81] : memref<4x1x512xi32, #tpu.memory_space<hbm>> -> memref<1x1x512xi32, #tpu.memory_space<hbm>>
        %dma_wait3A_83 = tpu.memref_squeeze %dma_wait3A_82 : memref<1x1x512xi32, #tpu.memory_space<hbm>> -> memref<512xi32, #tpu.memory_space<hbm>>
        tpu.wait_dma2 semaphore(%run_scoped3A_73 : memref<!tpu.dma_semaphore, #tpu.memory_space<semaphore_mem>>) src(%dma_wait3A_83 : memref<512xi32, #tpu.memory_space<hbm>>) dst(%arg10 : memref<512xi32, #tpu.memory_space<vmem>>)
        tpu.yield
      }) : () -> ()
      %scan3A_67 = arith.constant 0 : i32
      %scan3A_68 = arith.constant 0 : i32
      %scan3A_69 = arith.constant 32 : i32
      %scan3A_70 = arith.addi %scan3A_68, %scan3A_69 : i32
      %scan3A_71 = arith.constant 1 : i32
      scf.for %scan3A_73 = %scan3A_68 to %scan3A_70 step %scan3A_71  : i32 {
        %mul3A_74 = arith.constant 16 : i32
        %mul3A_75 = arith.muli %scan3A_73, %mul3A_74 : i32
        %get3A = arith.index_cast %mul3A_75 : i32 to index
        %get3A_76 = tpu.vector_load %arg10[%get3A] {strides = array<i32>} : memref<512xi32, #tpu.memory_space<vmem>>, vector<16xi32>,
        %gather3A = tpu.vector_load_idx %arg9[%get3A_76] : memref<9264xf32, #tpu.memory_space<vmem>>[vector<16xi32>], vector<16xf32>,
        %swap3A = arith.index_cast %mul3A_75 : i32 to index
        %swap3A_77 = tpu.vector_load %arg11[%swap3A] {strides = array<i32>} : memref<512xf32, #tpu.memory_space<vmem>>, vector<16xf32>,
        tpu.vector_store %arg11[%swap3A], %gather3A {strides = array<i32>} : memref<512xf32, #tpu.memory_space<vmem>>, vector<16xf32>,
      }
      %scan3A_72 = arith.constant 32 : i32
      "tpu.region"() ({
        %run_scoped3A_73 = tpu.sem_alloc : memref<!tpu.dma_semaphore, #tpu.memory_space<semaphore_mem>>
        %dma_start3A = arith.constant 0 : i32
        %dma_start3A_74 = tpu.memref_slice %arg5[%add3A_21, %sub3A, %dma_start3A] : memref<4x10x512xf32, #tpu.memory_space<hbm>> -> memref<1x1x512xf32, #tpu.memory_space<hbm>>
        %dma_start3A_75 = tpu.memref_squeeze %dma_start3A_74 : memref<1x1x512xf32, #tpu.memory_space<hbm>> -> memref<512xf32, #tpu.memory_space<hbm>>
        %dma_start3A_76 = arith.constant 0 : i32
        %dma_start3A_77 = tpu.memref_slice %arg5[%add3A_21, %sub3A, %dma_start3A_76] : memref<4x10x512xf32, #tpu.memory_space<hbm>> -> memref<1x1x512xf32, #tpu.memory_space<hbm>>
        %dma_start3A_78 = tpu.memref_squeeze %dma_start3A_77 : memref<1x1x512xf32, #tpu.memory_space<hbm>> -> memref<512xf32, #tpu.memory_space<hbm>>
        tpu.enqueue_dma source(%arg11 : memref<512xf32, #tpu.memory_space<vmem>>) target(%dma_start3A_78 : memref<512xf32, #tpu.memory_space<hbm>>) target_semaphore(%run_scoped3A_73 : memref<!tpu.dma_semaphore, #tpu.memory_space<semaphore_mem>>)
        %dma_wait3A = arith.constant 0 : i32
        %dma_wait3A_79 = tpu.memref_slice %arg5[%add3A_21, %sub3A, %dma_wait3A] : memref<4x10x512xf32, #tpu.memory_space<hbm>> -> memref<1x1x512xf32, #tpu.memory_space<hbm>>
        %dma_wait3A_80 = tpu.memref_squeeze %dma_wait3A_79 : memref<1x1x512xf32, #tpu.memory_space<hbm>> -> memref<512xf32, #tpu.memory_space<hbm>>
        %dma_wait3A_81 = arith.constant 0 : i32
        %dma_wait3A_82 = tpu.memref_slice %arg5[%add3A_21, %sub3A, %dma_wait3A_81] : memref<4x10x512xf32, #tpu.memory_space<hbm>> -> memref<1x1x512xf32, #tpu.memory_space<hbm>>
        %dma_wait3A_83 = tpu.memref_squeeze %dma_wait3A_82 : memref<1x1x512xf32, #tpu.memory_space<hbm>> -> memref<512xf32, #tpu.memory_space<hbm>>
        tpu.wait_dma2 semaphore(%run_scoped3A_73 : memref<!tpu.dma_semaphore, #tpu.memory_space<semaphore_mem>>) src(%arg11 : memref<512xf32, #tpu.memory_space<vmem>>) dst(%dma_wait3A_83 : memref<512xf32, #tpu.memory_space<hbm>>)
        tpu.yield
      }) : () -> ()
    } else {
    }
    %add3A_5 = arith.constant 32 : i32
    %add3A_6 = arith.addi %add3A, %add3A_5 : i32
    %lt3A_7 = arith.constant 40 : i32
    %lt3A_8 = arith.cmpi slt, %add3A_6, %lt3A_7 : i32
    %convert_element_type3A_9 = arith.extui %lt3A_8 : i1 to i32
    %cond3A_10 = arith.constant 0 : i32
    %cond3A_11 = arith.cmpi ne, %convert_element_type3A_9, %cond3A_10 : i32
    scf.if %cond3A_11 {
      %ge3A = arith.constant 10 : i32
      %ge3A_12 = arith.cmpi sge, %add3A_6, %ge3A : i32
      %convert_element_type3A_13 = arith.extui %ge3A_12 : i1 to i32
      %ge3A_14 = arith.constant 20 : i32
      %ge3A_15 = arith.cmpi sge, %add3A_6, %ge3A_14 : i32
      %convert_element_type3A_16 = arith.extui %ge3A_15 : i1 to i32
      %add3A_17 = arith.addi %convert_element_type3A_13, %convert_element_type3A_16 : i32
      %ge3A_18 = arith.constant 30 : i32
      %ge3A_19 = arith.cmpi sge, %add3A_6, %ge3A_18 : i32
      %convert_element_type3A_20 = arith.extui %ge3A_19 : i1 to i32
      %add3A_21 = arith.addi %add3A_17, %convert_element_type3A_20 : i32
      %mul3A_22 = arith.constant 10 : i32
      %mul3A_23 = arith.muli %mul3A_22, %add3A_21 : i32
      %sub3A = arith.subi %add3A_6, %mul3A_23 : i32
      %lt3A_24 = arith.constant 4 : i32
      %lt3A_25 = arith.cmpi slt, %sub3A, %lt3A_24 : i32
      %sub3A_26 = arith.constant 1 : i32
      %sub3A_27 = arith.subi %sub3A, %sub3A_26 : i32
      %max3A = arith.constant 0 : i32
      %max3A_28 = arith.maxsi %sub3A_27, %max3A : i32
      %lt3A_29 = arith.constant 7 : i32
      %lt3A_30 = arith.cmpi slt, %sub3A, %lt3A_29 : i32
      %lt3A_31 = arith.constant 9 : i32
      %lt3A_32 = arith.cmpi slt, %sub3A, %lt3A_31 : i32
      %jit3A = arith.constant 1 : i32
      %jit3A_33 = arith.constant 2 : i32
      %select_n3A = arith.select %lt3A_32, %jit3A, %jit3A_33 : i32
      %jit3A_34 = arith.constant 0 : i32
      %select_n3A_35 = arith.select %lt3A_30, %jit3A_34, %select_n3A : i32
      %select_n3A_36 = arith.select %lt3A_25, %max3A_28, %select_n3A_35 : i32
      %lt3A_37 = arith.constant 4 : i32
      %lt3A_38 = arith.cmpi slt, %sub3A, %lt3A_37 : i32
      %lt3A_39 = arith.constant 7 : i32
      %lt3A_40 = arith.cmpi slt, %sub3A, %lt3A_39 : i32
      %sub3A_41 = arith.constant 4 : i32
      %sub3A_42 = arith.subi %sub3A, %sub3A_41 : i32
      %lt3A_43 = arith.constant 9 : i32
      %lt3A_44 = arith.cmpi slt, %sub3A, %lt3A_43 : i32
      %sub3A_45 = arith.constant 6 : i32
      %sub3A_46 = arith.subi %sub3A, %sub3A_45 : i32
      %jit3A_47 = arith.constant 2 : i32
      %select_n3A_48 = arith.select %lt3A_44, %sub3A_46, %jit3A_47 : i32
      %select_n3A_49 = arith.select %lt3A_40, %sub3A_42, %select_n3A_48 : i32
      %jit3A_50 = arith.constant 0 : i32
      %select_n3A_51 = arith.select %lt3A_38, %jit3A_50, %select_n3A_49 : i32
      %run_scoped3A = arith.constant 0 : i32
      "tpu.region"() ({
        %run_scoped3A_73 = tpu.sem_alloc : memref<!tpu.dma_semaphore, #tpu.memory_space<semaphore_mem>>
        %dma_start3A = arith.constant 0 : i32
        %dma_start3A_74 = tpu.memref_slice %arg3[%add3A_21, %run_scoped3A, %dma_start3A] : memref<4x1x16384xi32, #tpu.memory_space<hbm>> -> memref<1x1x16384xi32, #tpu.memory_space<hbm>>
        %dma_start3A_75 = tpu.memref_squeeze %dma_start3A_74 : memref<1x1x16384xi32, #tpu.memory_space<hbm>> -> memref<16384xi32, #tpu.memory_space<hbm>>
        %dma_start3A_76 = arith.constant 0 : i32
        %dma_start3A_77 = tpu.memref_slice %arg3[%add3A_21, %run_scoped3A, %dma_start3A_76] : memref<4x1x16384xi32, #tpu.memory_space<hbm>> -> memref<1x1x16384xi32, #tpu.memory_space<hbm>>
        %dma_start3A_78 = tpu.memref_squeeze %dma_start3A_77 : memref<1x1x16384xi32, #tpu.memory_space<hbm>> -> memref<16384xi32, #tpu.memory_space<hbm>>
        tpu.enqueue_dma source(%dma_start3A_78 : memref<16384xi32, #tpu.memory_space<hbm>>) target(%arg6 : memref<16384xi32, #tpu.memory_space<vmem>>) target_semaphore(%run_scoped3A_73 : memref<!tpu.dma_semaphore, #tpu.memory_space<semaphore_mem>>)
        %dma_wait3A = arith.constant 0 : i32
        %dma_wait3A_79 = tpu.memref_slice %arg3[%add3A_21, %run_scoped3A, %dma_wait3A] : memref<4x1x16384xi32, #tpu.memory_space<hbm>> -> memref<1x1x16384xi32, #tpu.memory_space<hbm>>
        %dma_wait3A_80 = tpu.memref_squeeze %dma_wait3A_79 : memref<1x1x16384xi32, #tpu.memory_space<hbm>> -> memref<16384xi32, #tpu.memory_space<hbm>>
        %dma_wait3A_81 = arith.constant 0 : i32
        %dma_wait3A_82 = tpu.memref_slice %arg3[%add3A_21, %run_scoped3A, %dma_wait3A_81] : memref<4x1x16384xi32, #tpu.memory_space<hbm>> -> memref<1x1x16384xi32, #tpu.memory_space<hbm>>
        %dma_wait3A_83 = tpu.memref_squeeze %dma_wait3A_82 : memref<1x1x16384xi32, #tpu.memory_space<hbm>> -> memref<16384xi32, #tpu.memory_space<hbm>>
        tpu.wait_dma2 semaphore(%run_scoped3A_73 : memref<!tpu.dma_semaphore, #tpu.memory_space<semaphore_mem>>) src(%dma_wait3A_83 : memref<16384xi32, #tpu.memory_space<hbm>>) dst(%arg6 : memref<16384xi32, #tpu.memory_space<vmem>>)
        tpu.yield
      }) : () -> ()
      "tpu.region"() ({
        %run_scoped3A_73 = tpu.sem_alloc : memref<!tpu.dma_semaphore, #tpu.memory_space<semaphore_mem>>
        %dma_start3A = arith.constant 0 : i32
        %dma_start3A_74 = tpu.memref_slice %arg2[%add3A_21, %select_n3A_36, %dma_start3A] : memref<4x3x16384xf32, #tpu.memory_space<hbm>> -> memref<1x1x16384xf32, #tpu.memory_space<hbm>>
        %dma_start3A_75 = tpu.memref_squeeze %dma_start3A_74 : memref<1x1x16384xf32, #tpu.memory_space<hbm>> -> memref<16384xf32, #tpu.memory_space<hbm>>
        %dma_start3A_76 = arith.constant 0 : i32
        %dma_start3A_77 = tpu.memref_slice %arg2[%add3A_21, %select_n3A_36, %dma_start3A_76] : memref<4x3x16384xf32, #tpu.memory_space<hbm>> -> memref<1x1x16384xf32, #tpu.memory_space<hbm>>
        %dma_start3A_78 = tpu.memref_squeeze %dma_start3A_77 : memref<1x1x16384xf32, #tpu.memory_space<hbm>> -> memref<16384xf32, #tpu.memory_space<hbm>>
        tpu.enqueue_dma source(%dma_start3A_78 : memref<16384xf32, #tpu.memory_space<hbm>>) target(%arg7 : memref<16384xf32, #tpu.memory_space<vmem>>) target_semaphore(%run_scoped3A_73 : memref<!tpu.dma_semaphore, #tpu.memory_space<semaphore_mem>>)
        %dma_wait3A = arith.constant 0 : i32
        %dma_wait3A_79 = tpu.memref_slice %arg2[%add3A_21, %select_n3A_36, %dma_wait3A] : memref<4x3x16384xf32, #tpu.memory_space<hbm>> -> memref<1x1x16384xf32, #tpu.memory_space<hbm>>
        %dma_wait3A_80 = tpu.memref_squeeze %dma_wait3A_79 : memref<1x1x16384xf32, #tpu.memory_space<hbm>> -> memref<16384xf32, #tpu.memory_space<hbm>>
        %dma_wait3A_81 = arith.constant 0 : i32
        %dma_wait3A_82 = tpu.memref_slice %arg2[%add3A_21, %select_n3A_36, %dma_wait3A_81] : memref<4x3x16384xf32, #tpu.memory_space<hbm>> -> memref<1x1x16384xf32, #tpu.memory_space<hbm>>
        %dma_wait3A_83 = tpu.memref_squeeze %dma_wait3A_82 : memref<1x1x16384xf32, #tpu.memory_space<hbm>> -> memref<16384xf32, #tpu.memory_space<hbm>>
        tpu.wait_dma2 semaphore(%run_scoped3A_73 : memref<!tpu.dma_semaphore, #tpu.memory_space<semaphore_mem>>) src(%dma_wait3A_83 : memref<16384xf32, #tpu.memory_space<hbm>>) dst(%arg7 : memref<16384xf32, #tpu.memory_space<vmem>>)
        tpu.yield
      }) : () -> ()
      "tpu.region"() ({
        %run_scoped3A_73 = tpu.sem_alloc : memref<!tpu.dma_semaphore, #tpu.memory_space<semaphore_mem>>
        %dma_start3A = arith.constant 0 : i32
        %dma_start3A_74 = tpu.memref_slice %arg2[%add3A_21, %select_n3A_51, %dma_start3A] : memref<4x3x16384xf32, #tpu.memory_space<hbm>> -> memref<1x1x16384xf32, #tpu.memory_space<hbm>>
        %dma_start3A_75 = tpu.memref_squeeze %dma_start3A_74 : memref<1x1x16384xf32, #tpu.memory_space<hbm>> -> memref<16384xf32, #tpu.memory_space<hbm>>
        %dma_start3A_76 = arith.constant 0 : i32
        %dma_start3A_77 = tpu.memref_slice %arg2[%add3A_21, %select_n3A_51, %dma_start3A_76] : memref<4x3x16384xf32, #tpu.memory_space<hbm>> -> memref<1x1x16384xf32, #tpu.memory_space<hbm>>
        %dma_start3A_78 = tpu.memref_squeeze %dma_start3A_77 : memref<1x1x16384xf32, #tpu.memory_space<hbm>> -> memref<16384xf32, #tpu.memory_space<hbm>>
        tpu.enqueue_dma source(%dma_start3A_78 : memref<16384xf32, #tpu.memory_space<hbm>>) target(%arg8 : memref<16384xf32, #tpu.memory_space<vmem>>) target_semaphore(%run_scoped3A_73 : memref<!tpu.dma_semaphore, #tpu.memory_space<semaphore_mem>>)
        %dma_wait3A = arith.constant 0 : i32
        %dma_wait3A_79 = tpu.memref_slice %arg2[%add3A_21, %select_n3A_51, %dma_wait3A] : memref<4x3x16384xf32, #tpu.memory_space<hbm>> -> memref<1x1x16384xf32, #tpu.memory_space<hbm>>
        %dma_wait3A_80 = tpu.memref_squeeze %dma_wait3A_79 : memref<1x1x16384xf32, #tpu.memory_space<hbm>> -> memref<16384xf32, #tpu.memory_space<hbm>>
        %dma_wait3A_81 = arith.constant 0 : i32
        %dma_wait3A_82 = tpu.memref_slice %arg2[%add3A_21, %select_n3A_51, %dma_wait3A_81] : memref<4x3x16384xf32, #tpu.memory_space<hbm>> -> memref<1x1x16384xf32, #tpu.memory_space<hbm>>
        %dma_wait3A_83 = tpu.memref_squeeze %dma_wait3A_82 : memref<1x1x16384xf32, #tpu.memory_space<hbm>> -> memref<16384xf32, #tpu.memory_space<hbm>>
        tpu.wait_dma2 semaphore(%run_scoped3A_73 : memref<!tpu.dma_semaphore, #tpu.memory_space<semaphore_mem>>) src(%dma_wait3A_83 : memref<16384xf32, #tpu.memory_space<hbm>>) dst(%arg8 : memref<16384xf32, #tpu.memory_space<vmem>>)
        tpu.yield
      }) : () -> ()
      %scan3A = arith.constant 0 : i32
      %scan3A_52 = arith.constant 0 : i32
      %scan3A_53 = arith.constant 579 : i32
      %scan3A_54 = arith.addi %scan3A_52, %scan3A_53 : i32
      %scan3A_55 = arith.constant 1 : i32
      scf.for %scan3A_73 = %scan3A_52 to %scan3A_54 step %scan3A_55  : i32 {
        %broadcast_in_dim3A = arith.constant 0.000000e+00 : f32
        %broadcast_in_dim3A_74 = vector.broadcast %broadcast_in_dim3A : f32 to vector<16xf32>
        %mul3A_75 = arith.constant 16 : i32
        %mul3A_76 = arith.muli %scan3A_73, %mul3A_75 : i32
        %swap3A = arith.index_cast %mul3A_76 : i32 to index
        %swap3A_77 = tpu.vector_load %arg9[%swap3A] {strides = array<i32>} : memref<9264xf32, #tpu.memory_space<vmem>>, vector<16xf32>,
        tpu.vector_store %arg9[%swap3A], %broadcast_in_dim3A_74 {strides = array<i32>} : memref<9264xf32, #tpu.memory_space<vmem>>, vector<16xf32>,
      }
      %scan3A_56 = arith.constant 579 : i32
      %eq3A = arith.constant 0 : i32
      %eq3A_57 = arith.cmpi eq, %sub3A, %eq3A : i32
      %lt3A_58 = arith.constant 4 : i32
      %lt3A_59 = arith.cmpi slt, %sub3A, %lt3A_58 : i32
      %scan3A_60 = arith.constant 0 : i32
      %scan3A_61 = arith.constant 0 : i32
      %scan3A_62 = arith.constant 1024 : i32
      %scan3A_63 = arith.addi %scan3A_61, %scan3A_62 : i32
      %scan3A_64 = arith.constant 1 : i32
      scf.for %scan3A_73 = %scan3A_61 to %scan3A_63 step %scan3A_64  : i32 {
        %mul3A_74 = arith.constant 16 : i32
        %mul3A_75 = arith.muli %scan3A_73, %mul3A_74 : i32
        %get3A = arith.index_cast %mul3A_75 : i32 to index
        %get3A_76 = tpu.vector_load %arg6[%get3A] {strides = array<i32>} : memref<16384xi32, #tpu.memory_space<vmem>>, vector<16xi32>,
        %get3A_77 = arith.index_cast %mul3A_75 : i32 to index
        %get3A_78 = tpu.vector_load %arg7[%get3A_77] {strides = array<i32>} : memref<16384xf32, #tpu.memory_space<vmem>>, vector<16xf32>,
        %get3A_79 = arith.index_cast %mul3A_75 : i32 to index
        %get3A_80 = tpu.vector_load %arg8[%get3A_79] {strides = array<i32>} : memref<16384xf32, #tpu.memory_space<vmem>>, vector<16xf32>,
        %mul3A_81 = arith.mulf %get3A_78, %get3A_80 : vector<16xf32>
        %select_n3A_82 = arith.select %lt3A_59, %get3A_78, %mul3A_81 : vector<16xf32>
        %broadcast_in_dim3A = arith.constant 1.000000e+00 : f32
        %broadcast_in_dim3A_83 = vector.broadcast %broadcast_in_dim3A : f32 to vector<16xf32>
        %select_n3A_84 = arith.select %eq3A_57, %broadcast_in_dim3A_83, %select_n3A_82 : vector<16xf32>
        tpu.vector_store_idx %arg9[%get3A_76], %select_n3A_84 {add = true} : memref<9264xf32, #tpu.memory_space<vmem>>[vector<16xi32>], vector<16xf32>,
      }
      %scan3A_65 = arith.constant 1024 : i32
      %run_scoped3A_66 = arith.constant 0 : i32
      "tpu.region"() ({
        %run_scoped3A_73 = tpu.sem_alloc : memref<!tpu.dma_semaphore, #tpu.memory_space<semaphore_mem>>
        %dma_start3A = arith.constant 0 : i32
        %dma_start3A_74 = tpu.memref_slice %arg4[%add3A_21, %run_scoped3A_66, %dma_start3A] : memref<4x1x512xi32, #tpu.memory_space<hbm>> -> memref<1x1x512xi32, #tpu.memory_space<hbm>>
        %dma_start3A_75 = tpu.memref_squeeze %dma_start3A_74 : memref<1x1x512xi32, #tpu.memory_space<hbm>> -> memref<512xi32, #tpu.memory_space<hbm>>
        %dma_start3A_76 = arith.constant 0 : i32
        %dma_start3A_77 = tpu.memref_slice %arg4[%add3A_21, %run_scoped3A_66, %dma_start3A_76] : memref<4x1x512xi32, #tpu.memory_space<hbm>> -> memref<1x1x512xi32, #tpu.memory_space<hbm>>
        %dma_start3A_78 = tpu.memref_squeeze %dma_start3A_77 : memref<1x1x512xi32, #tpu.memory_space<hbm>> -> memref<512xi32, #tpu.memory_space<hbm>>
        tpu.enqueue_dma source(%dma_start3A_78 : memref<512xi32, #tpu.memory_space<hbm>>) target(%arg10 : memref<512xi32, #tpu.memory_space<vmem>>) target_semaphore(%run_scoped3A_73 : memref<!tpu.dma_semaphore, #tpu.memory_space<semaphore_mem>>)
        %dma_wait3A = arith.constant 0 : i32
        %dma_wait3A_79 = tpu.memref_slice %arg4[%add3A_21, %run_scoped3A_66, %dma_wait3A] : memref<4x1x512xi32, #tpu.memory_space<hbm>> -> memref<1x1x512xi32, #tpu.memory_space<hbm>>
        %dma_wait3A_80 = tpu.memref_squeeze %dma_wait3A_79 : memref<1x1x512xi32, #tpu.memory_space<hbm>> -> memref<512xi32, #tpu.memory_space<hbm>>
        %dma_wait3A_81 = arith.constant 0 : i32
        %dma_wait3A_82 = tpu.memref_slice %arg4[%add3A_21, %run_scoped3A_66, %dma_wait3A_81] : memref<4x1x512xi32, #tpu.memory_space<hbm>> -> memref<1x1x512xi32, #tpu.memory_space<hbm>>
        %dma_wait3A_83 = tpu.memref_squeeze %dma_wait3A_82 : memref<1x1x512xi32, #tpu.memory_space<hbm>> -> memref<512xi32, #tpu.memory_space<hbm>>
        tpu.wait_dma2 semaphore(%run_scoped3A_73 : memref<!tpu.dma_semaphore, #tpu.memory_space<semaphore_mem>>) src(%dma_wait3A_83 : memref<512xi32, #tpu.memory_space<hbm>>) dst(%arg10 : memref<512xi32, #tpu.memory_space<vmem>>)
        tpu.yield
      }) : () -> ()
      %scan3A_67 = arith.constant 0 : i32
      %scan3A_68 = arith.constant 0 : i32
      %scan3A_69 = arith.constant 32 : i32
      %scan3A_70 = arith.addi %scan3A_68, %scan3A_69 : i32
      %scan3A_71 = arith.constant 1 : i32
      scf.for %scan3A_73 = %scan3A_68 to %scan3A_70 step %scan3A_71  : i32 {
        %mul3A_74 = arith.constant 16 : i32
        %mul3A_75 = arith.muli %scan3A_73, %mul3A_74 : i32
        %get3A = arith.index_cast %mul3A_75 : i32 to index
        %get3A_76 = tpu.vector_load %arg10[%get3A] {strides = array<i32>} : memref<512xi32, #tpu.memory_space<vmem>>, vector<16xi32>,
        %gather3A = tpu.vector_load_idx %arg9[%get3A_76] : memref<9264xf32, #tpu.memory_space<vmem>>[vector<16xi32>], vector<16xf32>,
        %swap3A = arith.index_cast %mul3A_75 : i32 to index
        %swap3A_77 = tpu.vector_load %arg11[%swap3A] {strides = array<i32>} : memref<512xf32, #tpu.memory_space<vmem>>, vector<16xf32>,
        tpu.vector_store %arg11[%swap3A], %gather3A {strides = array<i32>} : memref<512xf32, #tpu.memory_space<vmem>>, vector<16xf32>,
      }
      %scan3A_72 = arith.constant 32 : i32
      "tpu.region"() ({
        %run_scoped3A_73 = tpu.sem_alloc : memref<!tpu.dma_semaphore, #tpu.memory_space<semaphore_mem>>
        %dma_start3A = arith.constant 0 : i32
        %dma_start3A_74 = tpu.memref_slice %arg5[%add3A_21, %sub3A, %dma_start3A] : memref<4x10x512xf32, #tpu.memory_space<hbm>> -> memref<1x1x512xf32, #tpu.memory_space<hbm>>
        %dma_start3A_75 = tpu.memref_squeeze %dma_start3A_74 : memref<1x1x512xf32, #tpu.memory_space<hbm>> -> memref<512xf32, #tpu.memory_space<hbm>>
        %dma_start3A_76 = arith.constant 0 : i32
        %dma_start3A_77 = tpu.memref_slice %arg5[%add3A_21, %sub3A, %dma_start3A_76] : memref<4x10x512xf32, #tpu.memory_space<hbm>> -> memref<1x1x512xf32, #tpu.memory_space<hbm>>
        %dma_start3A_78 = tpu.memref_squeeze %dma_start3A_77 : memref<1x1x512xf32, #tpu.memory_space<hbm>> -> memref<512xf32, #tpu.memory_space<hbm>>
        tpu.enqueue_dma source(%arg11 : memref<512xf32, #tpu.memory_space<vmem>>) target(%dma_start3A_78 : memref<512xf32, #tpu.memory_space<hbm>>) target_semaphore(%run_scoped3A_73 : memref<!tpu.dma_semaphore, #tpu.memory_space<semaphore_mem>>)
        %dma_wait3A = arith.constant 0 : i32
        %dma_wait3A_79 = tpu.memref_slice %arg5[%add3A_21, %sub3A, %dma_wait3A] : memref<4x10x512xf32, #tpu.memory_space<hbm>> -> memref<1x1x512xf32, #tpu.memory_space<hbm>>
        %dma_wait3A_80 = tpu.memref_squeeze %dma_wait3A_79 : memref<1x1x512xf32, #tpu.memory_space<hbm>> -> memref<512xf32, #tpu.memory_space<hbm>>
        %dma_wait3A_81 = arith.constant 0 : i32
        %dma_wait3A_82 = tpu.memref_slice %arg5[%add3A_21, %sub3A, %dma_wait3A_81] : memref<4x10x512xf32, #tpu.memory_space<hbm>> -> memref<1x1x512xf32, #tpu.memory_space<hbm>>
        %dma_wait3A_83 = tpu.memref_squeeze %dma_wait3A_82 : memref<1x1x512xf32, #tpu.memory_space<hbm>> -> memref<512xf32, #tpu.memory_space<hbm>>
        tpu.wait_dma2 semaphore(%run_scoped3A_73 : memref<!tpu.dma_semaphore, #tpu.memory_space<semaphore_mem>>) src(%arg11 : memref<512xf32, #tpu.memory_space<vmem>>) dst(%dma_wait3A_83 : memref<512xf32, #tpu.memory_space<hbm>>)
        tpu.yield
      }) : () -> ()
    } else {
    }
    return
  }
}

module attributes {stable_mosaic.version = 14 : i64} {
  func.func @_bin_body(%arg0: i32, %arg1: memref<1x3x16384xf32, #tpu.memory_space<vmem>>, %arg2: memref<1x3x512xf32, #tpu.memory_space<vmem>>, %arg3: memref<1x1x16384xi32, #tpu.memory_space<vmem>>, %arg4: memref<1x1x512xi32, #tpu.memory_space<vmem>>) attributes {dimension_semantics = [#tpu.dimension_semantics<arbitrary>], iteration_bounds = array<i64: 4>, scalar_prefetch = 0 : i64, scratch_operands = 0 : i64, tpu.core_type = #tpu.core_type<tc>, window_params = [{transform_indices = @transform_0, window_bounds = array<i64: 1, 3, 16384>}, {transform_indices = @transform_1, window_bounds = array<i64: 1, 3, 512>}, {transform_indices = @transform_2, window_bounds = array<i64: 1, 1, 16384>}, {transform_indices = @transform_3, window_bounds = array<i64: 1, 1, 512>}]} {
    %get3A = arith.constant 0 : index
    %get3A_0 = arith.constant 0 : index
    %get3A_1 = arith.constant 0 : index
    %get3A_2 = vector.load %arg1[%get3A, %get3A_0, %get3A_1] : memref<1x3x16384xf32, #tpu.memory_space<vmem>>, vector<1x3x16384xf32>
    %get3A_3 = vector.shape_cast %get3A_2 : vector<1x3x16384xf32> to vector<3x16384xf32>
    %reduce_min3A = arith.constant dense<0x7F800000> : vector<3xf32>
    %reduce_min3A_4 = vector.multi_reduction <minimumf>, %get3A_3, %reduce_min3A [1] : vector<3x16384xf32> to vector<3xf32>
    %broadcast_in_dim3A = vector.shape_cast %reduce_min3A_4 : vector<3xf32> to vector<3x1xf32>
    %sub3A = vector.broadcast %broadcast_in_dim3A : vector<3x1xf32> to vector<3x16384xf32>
    %sub3A_5 = arith.subf %get3A_3, %sub3A : vector<3x16384xf32>
    %div3A = arith.constant 5.000000e-02 : f32
    %div3A_6 = vector.broadcast %div3A : f32 to vector<3x16384xf32>
    %div3A_7 = arith.divf %sub3A_5, %div3A_6 : vector<3x16384xf32>
    %floor3A = math.floor %div3A_7 : vector<3x16384xf32>
    %convert_element_type3A = arith.fptosi %floor3A : vector<3x16384xf32> to vector<3x16384xi32>
    %jit3A = arith.constant 0 : i32
    %jit3A_8 = arith.constant 20 : i32
    %max3A = vector.broadcast %jit3A : i32 to vector<3x16384xi32>
    %max3A_9 = arith.maxsi %max3A, %convert_element_type3A : vector<3x16384xi32>
    %min3A = vector.broadcast %jit3A_8 : i32 to vector<3x16384xi32>
    %min3A_10 = arith.minsi %min3A, %max3A_9 : vector<3x16384xi32>
    %slice3A = vector.extract_strided_slice %min3A_10 {offsets = [0, 0], sizes = [1, 16384], strides = [1, 1]} : vector<3x16384xi32> to vector<1x16384xi32>
    %mul3A = arith.constant 441 : i32
    %mul3A_11 = vector.broadcast %mul3A : i32 to vector<1x16384xi32>
    %mul3A_12 = arith.muli %slice3A, %mul3A_11 : vector<1x16384xi32>
    %slice3A_13 = vector.extract_strided_slice %min3A_10 {offsets = [1, 0], sizes = [1, 16384], strides = [1, 1]} : vector<3x16384xi32> to vector<1x16384xi32>
    %mul3A_14 = arith.constant 21 : i32
    %mul3A_15 = vector.broadcast %mul3A_14 : i32 to vector<1x16384xi32>
    %mul3A_16 = arith.muli %slice3A_13, %mul3A_15 : vector<1x16384xi32>
    %add3A = arith.addi %mul3A_12, %mul3A_16 : vector<1x16384xi32>
    %slice3A_17 = vector.extract_strided_slice %min3A_10 {offsets = [2, 0], sizes = [1, 16384], strides = [1, 1]} : vector<3x16384xi32> to vector<1x16384xi32>
    %add3A_18 = arith.addi %add3A, %slice3A_17 : vector<1x16384xi32>
    %swap3A = arith.constant 0 : index
    %swap3A_19 = arith.constant 0 : index
    %swap3A_20 = arith.constant 0 : index
    %swap3A_21 = vector.load %arg3[%swap3A, %swap3A_19, %swap3A_20] : memref<1x1x16384xi32, #tpu.memory_space<vmem>>, vector<1x1x16384xi32>
    %swap3A_22 = vector.shape_cast %swap3A_21 : vector<1x1x16384xi32> to vector<1x16384xi32>
    %swap3A_23 = vector.shape_cast %add3A_18 : vector<1x16384xi32> to vector<1x1x16384xi32>
    tpu.vector_store %arg3[%swap3A, %swap3A_19, %swap3A_20], %swap3A_23 {strides = array<i32>} : memref<1x1x16384xi32, #tpu.memory_space<vmem>>, vector<1x1x16384xi32>,
    %get3A_24 = arith.constant 0 : index
    %get3A_25 = arith.constant 0 : index
    %get3A_26 = arith.constant 0 : index
    %get3A_27 = vector.load %arg2[%get3A_24, %get3A_25, %get3A_26] : memref<1x3x512xf32, #tpu.memory_space<vmem>>, vector<1x3x512xf32>
    %get3A_28 = vector.shape_cast %get3A_27 : vector<1x3x512xf32> to vector<3x512xf32>
    %sub3A_29 = vector.broadcast %broadcast_in_dim3A : vector<3x1xf32> to vector<3x512xf32>
    %sub3A_30 = arith.subf %get3A_28, %sub3A_29 : vector<3x512xf32>
    %div3A_31 = arith.constant 5.000000e-02 : f32
    %div3A_32 = vector.broadcast %div3A_31 : f32 to vector<3x512xf32>
    %div3A_33 = arith.divf %sub3A_30, %div3A_32 : vector<3x512xf32>
    %floor3A_34 = math.floor %div3A_33 : vector<3x512xf32>
    %convert_element_type3A_35 = arith.fptosi %floor3A_34 : vector<3x512xf32> to vector<3x512xi32>
    %jit3A_36 = arith.constant 0 : i32
    %jit3A_37 = arith.constant 20 : i32
    %max3A_38 = vector.broadcast %jit3A_36 : i32 to vector<3x512xi32>
    %max3A_39 = arith.maxsi %max3A_38, %convert_element_type3A_35 : vector<3x512xi32>
    %min3A_40 = vector.broadcast %jit3A_37 : i32 to vector<3x512xi32>
    %min3A_41 = arith.minsi %min3A_40, %max3A_39 : vector<3x512xi32>
    %slice3A_42 = vector.extract_strided_slice %min3A_41 {offsets = [0, 0], sizes = [1, 512], strides = [1, 1]} : vector<3x512xi32> to vector<1x512xi32>
    %mul3A_43 = arith.constant 441 : i32
    %mul3A_44 = vector.broadcast %mul3A_43 : i32 to vector<1x512xi32>
    %mul3A_45 = arith.muli %slice3A_42, %mul3A_44 : vector<1x512xi32>
    %slice3A_46 = vector.extract_strided_slice %min3A_41 {offsets = [1, 0], sizes = [1, 512], strides = [1, 1]} : vector<3x512xi32> to vector<1x512xi32>
    %mul3A_47 = arith.constant 21 : i32
    %mul3A_48 = vector.broadcast %mul3A_47 : i32 to vector<1x512xi32>
    %mul3A_49 = arith.muli %slice3A_46, %mul3A_48 : vector<1x512xi32>
    %add3A_50 = arith.addi %mul3A_45, %mul3A_49 : vector<1x512xi32>
    %slice3A_51 = vector.extract_strided_slice %min3A_41 {offsets = [2, 0], sizes = [1, 512], strides = [1, 1]} : vector<3x512xi32> to vector<1x512xi32>
    %add3A_52 = arith.addi %add3A_50, %slice3A_51 : vector<1x512xi32>
    %swap3A_53 = arith.constant 0 : index
    %swap3A_54 = arith.constant 0 : index
    %swap3A_55 = arith.constant 0 : index
    %swap3A_56 = vector.load %arg4[%swap3A_53, %swap3A_54, %swap3A_55] : memref<1x1x512xi32, #tpu.memory_space<vmem>>, vector<1x1x512xi32>
    %swap3A_57 = vector.shape_cast %swap3A_56 : vector<1x1x512xi32> to vector<1x512xi32>
    %swap3A_58 = vector.shape_cast %add3A_52 : vector<1x512xi32> to vector<1x1x512xi32>
    tpu.vector_store %arg4[%swap3A_53, %swap3A_54, %swap3A_55], %swap3A_58 {strides = array<i32>} : memref<1x1x512xi32, #tpu.memory_space<vmem>>, vector<1x1x512xi32>,
    return
  }
  func.func @transform_0(%arg0: i32) -> (i32, i32, i32) {
    %c0_i32 = arith.constant 0 : i32
    %c0_i32_0 = arith.constant 0 : i32
    %c0_i32_1 = arith.constant 0 : i32
    return %arg0, %c0_i32, %c0_i32_0 : i32, i32, i32
  }
  func.func @transform_1(%arg0: i32) -> (i32, i32, i32) {
    %c0_i32 = arith.constant 0 : i32
    %c0_i32_0 = arith.constant 0 : i32
    %c0_i32_1 = arith.constant 0 : i32
    return %arg0, %c0_i32, %c0_i32_0 : i32, i32, i32
  }
  func.func @transform_2(%arg0: i32) -> (i32, i32, i32) {
    %c0_i32 = arith.constant 0 : i32
    %c0_i32_0 = arith.constant 0 : i32
    %c0_i32_1 = arith.constant 0 : i32
    return %arg0, %c0_i32, %c0_i32_0 : i32, i32, i32
  }
  func.func @transform_3(%arg0: i32) -> (i32, i32, i32) {
    %c0_i32 = arith.constant 0 : i32
    %c0_i32_0 = arith.constant 0 : i32
    %c0_i32_1 = arith.constant 0 : i32
    return %arg0, %c0_i32, %c0_i32_0 : i32, i32, i32
  }
}

module attributes {stable_mosaic.version = 14 : i64} {
  func.func @_fin_body(%arg0: i32, %arg1: memref<1x10x512xf32, #tpu.memory_space<vmem>>, %arg2: memref<1x12x512xf32, #tpu.memory_space<vmem>>) attributes {dimension_semantics = [#tpu.dimension_semantics<arbitrary>], iteration_bounds = array<i64: 4>, scalar_prefetch = 0 : i64, scratch_operands = 0 : i64, tpu.core_type = #tpu.core_type<tc>, window_params = [{transform_indices = @transform_0, window_bounds = array<i64: 1, 10, 512>}, {transform_indices = @transform_1, window_bounds = array<i64: 1, 12, 512>}]} {
    %get3A = arith.constant 0 : index
    %get3A_0 = arith.constant 0 : index
    %get3A_1 = arith.constant 0 : index
    %get3A_2 = vector.load %arg1[%get3A, %get3A_0, %get3A_1] : memref<1x10x512xf32, #tpu.memory_space<vmem>>, vector<1x10x512xf32>
    %get3A_3 = vector.shape_cast %get3A_2 : vector<1x10x512xf32> to vector<10x512xf32>
    %slice3A = vector.extract_strided_slice %get3A_3 {offsets = [0, 0], sizes = [1, 512], strides = [1, 1]} : vector<10x512xf32> to vector<1x512xf32>
    %max3A = arith.constant 1.000000e+00 : f32
    %max3A_4 = vector.broadcast %max3A : f32 to vector<1x512xf32>
    %max3A_5 = arith.maximumf %slice3A, %max3A_4 : vector<1x512xf32>
    %slice3A_6 = vector.extract_strided_slice %get3A_3 {offsets = [1, 0], sizes = [1, 512], strides = [1, 1]} : vector<10x512xf32> to vector<1x512xf32>
    %div3A = arith.divf %slice3A_6, %max3A_5 : vector<1x512xf32>
    %slice3A_7 = vector.extract_strided_slice %get3A_3 {offsets = [2, 0], sizes = [1, 512], strides = [1, 1]} : vector<10x512xf32> to vector<1x512xf32>
    %div3A_8 = arith.divf %slice3A_7, %max3A_5 : vector<1x512xf32>
    %slice3A_9 = vector.extract_strided_slice %get3A_3 {offsets = [3, 0], sizes = [1, 512], strides = [1, 1]} : vector<10x512xf32> to vector<1x512xf32>
    %div3A_10 = arith.divf %slice3A_9, %max3A_5 : vector<1x512xf32>
    %slice3A_11 = vector.extract_strided_slice %get3A_3 {offsets = [4, 0], sizes = [1, 512], strides = [1, 1]} : vector<10x512xf32> to vector<1x512xf32>
    %div3A_12 = arith.divf %slice3A_11, %max3A_5 : vector<1x512xf32>
    %mul3A = arith.mulf %div3A, %div3A : vector<1x512xf32>
    %sub3A = arith.subf %div3A_12, %mul3A : vector<1x512xf32>
    %slice3A_13 = vector.extract_strided_slice %get3A_3 {offsets = [5, 0], sizes = [1, 512], strides = [1, 1]} : vector<10x512xf32> to vector<1x512xf32>
    %div3A_14 = arith.divf %slice3A_13, %max3A_5 : vector<1x512xf32>
    %mul3A_15 = arith.mulf %div3A, %div3A_8 : vector<1x512xf32>
    %sub3A_16 = arith.subf %div3A_14, %mul3A_15 : vector<1x512xf32>
    %slice3A_17 = vector.extract_strided_slice %get3A_3 {offsets = [6, 0], sizes = [1, 512], strides = [1, 1]} : vector<10x512xf32> to vector<1x512xf32>
    %div3A_18 = arith.divf %slice3A_17, %max3A_5 : vector<1x512xf32>
    %mul3A_19 = arith.mulf %div3A, %div3A_10 : vector<1x512xf32>
    %sub3A_20 = arith.subf %div3A_18, %mul3A_19 : vector<1x512xf32>
    %slice3A_21 = vector.extract_strided_slice %get3A_3 {offsets = [7, 0], sizes = [1, 512], strides = [1, 1]} : vector<10x512xf32> to vector<1x512xf32>
    %div3A_22 = arith.divf %slice3A_21, %max3A_5 : vector<1x512xf32>
    %mul3A_23 = arith.mulf %div3A_8, %div3A_8 : vector<1x512xf32>
    %sub3A_24 = arith.subf %div3A_22, %mul3A_23 : vector<1x512xf32>
    %slice3A_25 = vector.extract_strided_slice %get3A_3 {offsets = [8, 0], sizes = [1, 512], strides = [1, 1]} : vector<10x512xf32> to vector<1x512xf32>
    %div3A_26 = arith.divf %slice3A_25, %max3A_5 : vector<1x512xf32>
    %mul3A_27 = arith.mulf %div3A_8, %div3A_10 : vector<1x512xf32>
    %sub3A_28 = arith.subf %div3A_26, %mul3A_27 : vector<1x512xf32>
    %slice3A_29 = vector.extract_strided_slice %get3A_3 {offsets = [9, 0], sizes = [1, 512], strides = [1, 1]} : vector<10x512xf32> to vector<1x512xf32>
    %div3A_30 = arith.divf %slice3A_29, %max3A_5 : vector<1x512xf32>
    %mul3A_31 = arith.mulf %div3A_10, %div3A_10 : vector<1x512xf32>
    %sub3A_32 = arith.subf %div3A_30, %mul3A_31 : vector<1x512xf32>
    %concatenate3A = tpu.concatenate %div3A, %div3A_8, %div3A_10, %sub3A, %sub3A_16, %sub3A_20, %sub3A_16, %sub3A_24, %sub3A_28, %sub3A_20, %sub3A_28, %sub3A_32 in 0 : vector<1x512xf32>, vector<1x512xf32>, vector<1x512xf32>, vector<1x512xf32>, vector<1x512xf32>, vector<1x512xf32>, vector<1x512xf32>, vector<1x512xf32>, vector<1x512xf32>, vector<1x512xf32>, vector<1x512xf32>, vector<1x512xf32> -> vector<12x512xf32>
    %swap3A = arith.constant 0 : index
    %swap3A_33 = arith.constant 0 : index
    %swap3A_34 = arith.constant 0 : index
    %swap3A_35 = vector.load %arg2[%swap3A, %swap3A_33, %swap3A_34] : memref<1x12x512xf32, #tpu.memory_space<vmem>>, vector<1x12x512xf32>
    %swap3A_36 = vector.shape_cast %swap3A_35 : vector<1x12x512xf32> to vector<12x512xf32>
    %swap3A_37 = vector.shape_cast %concatenate3A : vector<12x512xf32> to vector<1x12x512xf32>
    tpu.vector_store %arg2[%swap3A, %swap3A_33, %swap3A_34], %swap3A_37 {strides = array<i32>} : memref<1x12x512xf32, #tpu.memory_space<vmem>>, vector<1x12x512xf32>,
    return
  }
  func.func @transform_0(%arg0: i32) -> (i32, i32, i32) {
    %c0_i32 = arith.constant 0 : i32
    %c0_i32_0 = arith.constant 0 : i32
    %c0_i32_1 = arith.constant 0 : i32
    return %arg0, %c0_i32, %c0_i32_0 : i32, i32, i32
  }
  func.func @transform_1(%arg0: i32) -> (i32, i32, i32) {
    %c0_i32 = arith.constant 0 : i32
    %c0_i32_0 = arith.constant 0 : i32
    %c0_i32_1 = arith.constant 0 : i32
    return %arg0, %c0_i32, %c0_i32_0 : i32, i32, i32
  }
}

</mosaic_0001>

<sc_bundles>
// kernel: gather_offload_async_start
scs
__scs_entry_jumppad:
0x0: {  	(pc) =	sbr.rel $0x88, $3  }
0x1: {  	(tag) =	ssettag $0x0;
	lr =	simm.s32 $0x1  }
0x2: {  	[smem:$0x3FA0] =	sst lr;
	_ =	strace $0xD0000000  }
0x3: {  	_ = 	snop  }
0x4: {  	_ = 	snop  }
0x5: {  	_ = 	snop  }
0x6: {  	_ = 	snop  }
0x7: {  	_ = 	snop  }
__scs_overlays_trampoline_lowered:
0x8: {  	[smem:$0x3FAF] =	sst s0  }
0x9: {  	[smem:$0x3FB0] =	sst s1  }
0xa: {  	[smem:$0x3FB1] =	sst s2  }
0xb: {  	[smem:$0x3FB2] =	sst s3  }
0xc: {  	[smem:$0x3FB3] =	sst s4  }
0xd: {  	[smem:$0x3FB4] =	sst s5  }
0xe: {  	[smem:$0x3FB5] =	sst s6  }
0xf: {  	[smem:$0x3FB6] =	sst s7  }
0x10: {  	[smem:$0x3FB7] =	sst s8  }
0x11: {  	[smem:$0x3FB8] =	sst s9;
	s0 =	simm.s32 @!p0 $0x0  }
0x12: {  	s1 =	sld [smem:$0x3F9E];
	s0 =	simm.s32 @p0 $0x1  }
0x13: {  	[smem:$0x3FB9] =	sst s0;
	s0 =	simm.s32 @!p1 $0x0  }
0x14: {  	s2 =	sld [smem:$0x3F9D];
	s0 =	simm.s32 @p1 $0x1  }
0x15: {  	[smem:$0x3FBA] =	sst s0;
	s0 =	simm.s32 @!p2 $0x0  }
0x16: {  	s3 =	sld [smem:$0x3FDB];
	s0 =	simm.s32 @p2 $0x1  }
0x17: {  	s4 =	simm.s32 $0x1BF5;
	[smem:$0x3FBC] =	sst s0  }
0x18: {  	s0 =	sld [smem:$0x3F9F];
	_ =	swait.ge [sflag:s4], $0x0  }
0x19: {  	s7 =	sld [smem:$0x3FA0]  }
0x1a: {  	s8 =	sadd.s32 $0xFFFFE003, lr  }
0x1b: {  	s9 =	sadd.s32 $0xFFFFFEF7, lr;
	s5 =	simm.s32 $0xFFFFFFFF;
	p2 =	slt.u32 s8, $0xFFFFF086  }
0x1c: {  	p1 =	slt.u32 s9, $0xF7A;
	s5 =	simm.s32 @!p2 $0x0  }
0x1d: {  	s5 =	simm.s32 @p1 $0x1;
	p0 =	seq.s32 s7, s2  }
0x1e: {  	s7 =	smul.u32 @!p0 $0xF7A, s2;
	p2 =	seq.s32 @!p0 s5, $0x0  }
0x1f: {  	s9 =	smul.u32 $0xF7A, s1;
	s8 =	simm.s32 @!p0 $0x1BF5;
	p2 =	por !p2, p0  }
0x20: {  	[sflag:s8] =	ssyncset.s32 @!p0 $0xFFFFF086;
	s6 =	sadd.s32 @!p0 s3, s7;
	s7 =	simm.s32 @!p0 $0x108  }
0x21: {  	s3 =	sadd.s32 s3, s9;
	s6 =	sadd.s32 @!p0 $0x88, s6;
	s7 =	simm.s32 @p2 $0x1082  }
0x22: {  	[simem:s7], [sflag:s8] =	dma.local @!p0 [hbm:s6], $0xF7A  }
0x23: {  	s9 =	sor.u32 $0xD0000000, s2;
	s6 =	simm.s32 $0x108;
	_ =	swait.ge @!p0 [sflag:s8], $0x0  }
0x24: {  	s3 =	sadd.s32 $0x88, s3;
	s6 =	simm.s32 @!p1 $0x1082;
	[sflag:s4] =	ssyncset.s32 $0xFFFFF086  }
0x25: {  	[simem:s6], [sflag:s4] =	dma.local [hbm:s3], $0xF7A  }
0x26: {  	[smem:$0x3FA0] =	sst s1;
	(tag) =	ssettag s2;
	_ =	strace s9  }
0x27: {  	s1 =	sld [smem:$0x3FB0]  }
0x28: {  	s2 =	sld [smem:$0x3FB1]  }
0x29: {  	s4 =	sld [smem:$0x3FB3]  }
0x2a: {  	p0 =	seq.s32 s5, $0x0;
	s5 =	sld [smem:$0x3FB4]  }
0x2b: {  	s6 =	sld [smem:$0x3FB5]  }
0x2c: {  	s7 =	sld [smem:$0x3FB6]  }
0x2d: {  	s3 =	simm.s32 $0x108;
	s8 =	sld [smem:$0x3FB7]  }
0x2e: {  	s3 =	simm.s32 @!p0 $0x1082;
	s9 =	sld [smem:$0x3FB8]  }
0x2f: {  	lr =	sadd.s32 s0, s3;
	s0 =	sld [smem:$0x3FAF]  }
0x30: {  	s3 =	sld [smem:$0x3FB2]  }
0x31: {  	[smem:$0x3FBB] =	sst s10  }
0x32: {  	s10 =	sld [smem:$0x3FB9];
	_ =	sdelay $0x3  }
0x33: {  	p0 =	seq.s32 s10, $0x1;
	s10 =	sld [smem:$0x3FBB];
	_ =	sdelay $0x3  }
0x34: {  	[smem:$0x3FBB] =	sst s10  }
0x35: {  	s10 =	sld [smem:$0x3FBA];
	_ =	sdelay $0x3  }
0x36: {  	p1 =	seq.s32 s10, $0x1;
	s10 =	sld [smem:$0x3FBB];
	_ =	sdelay $0x3  }
0x37: {  	[smem:$0x3FBB] =	sst s10  }
0x38: {  	s10 =	sld [smem:$0x3FBC]  }
0x39: {  	_ = 	snop;
	(pc) =	sbr.ind lr, $3  }
0x3a: {  	_ = 	snop  }
0x3b: {  	_ = 	snop  }
0x3c: {  	p2 =	seq.s32 s10, $0x1;
	s10 =	sld [smem:$0x3FBB]  }
0x3d: {  	_ =	shalt  }
0x3e: {  	_ =	shalt  }
0x3f: {  	_ =	shalt  }
0x40: {  	_ =	shalt  }
0x41: {  	_ =	shalt  }
0x42: {  	_ =	shalt  }
0x43: {  	_ =	shalt  }
0x44: {  	_ =	shalt  }
0x45: {  	_ =	shalt  }
0x46: {  	_ =	shalt  }
0x47: {  	_ =	shalt  }
0x48: {  	_ =	shalt  }
0x49: {  	_ =	shalt  }
0x4a: {  	_ =	shalt  }
0x4b: {  	_ =	shalt  }
0x4c: {  	_ =	shalt  }
0x4d: {  	_ =	shalt  }
0x4e: {  	_ =	shalt  }
0x4f: {  	_ =	shalt  }
0x50: {  	_ =	shalt  }
0x51: {  	_ =	shalt  }
0x52: {  	_ =	shalt  }
0x53: {  	_ =	shalt  }
0x54: {  	_ =	shalt  }
0x55: {  	_ =	shalt  }
0x56: {  	_ =	shalt  }
0x57: {  	_ =	shalt  }
0x58: {  	_ =	shalt  }
0x59: {  	_ =	shalt  }
0x5a: {  	_ =	shalt  }
0x5b: {  	_ =	shalt  }
0x5c: {  	_ =	shalt  }
0x5d: {  	_ =	shalt  }
0x5e: {  	_ =	shalt  }
0x5f: {  	_ =	shalt  }
0x60: {  	_ =	shalt  }
0x61: {  	_ =	shalt  }
0x62: {  	_ =	shalt  }
0x63: {  	_ =	shalt  }
0x64: {  	_ =	shalt  }
0x65: {  	_ =	shalt  }
0x66: {  	_ =	shalt  }
0x67: {  	_ =	shalt  }
0x68: {  	_ =	shalt  }
0x69: {  	_ =	shalt  }
0x6a: {  	_ =	shalt  }
0x6b: {  	_ =	shalt  }
0x6c: {  	_ =	shalt  }
0x6d: {  	_ =	shalt  }
0x6e: {  	_ =	shalt  }
0x6f: {  	_ =	shalt  }
0x70: {  	_ =	shalt  }
0x71: {  	_ =	shalt  }
0x72: {  	_ =	shalt  }
0x73: {  	_ =	shalt  }
0x74: {  	_ =	shalt  }
0x75: {  	_ =	shalt  }
0x76: {  	_ =	shalt  }
0x77: {  	_ =	shalt  }
0x78: {  	_ =	shalt  }
0x79: {  	_ =	shalt  }
0x7a: {  	_ =	shalt  }
0x7b: {  	_ =	shalt  }
0x7c: {  	_ =	shalt  }
0x7d: {  	_ =	shalt  }
0x7e: {  	_ =	shalt  }
0x7f: {  	_ =	shalt  }
0x80: {  	_ =	shalt  }
0x81: {  	_ =	shalt  }
0x82: {  	_ =	shalt  }
0x83: {  	_ =	shalt  }
0x84: {  	_ =	shalt  }
0x85: {  	_ =	shalt  }
0x86: {  	_ =	shalt  }
0x87: {  	_ =	shalt  }
.Lfunc_end0:
.L_simem_size_0:
called_computation_lowered:
.L_overlay_start_0:
0x88: {  	s2 =	sld [smem:$0x3FD9]  }
0x89: {  	s3 =	sld [smem:$0x3FFE];
	_ =	sdelay $0x1  }
0x8a: {  	s1 =	srdreg.scid  }
0x8b: {  	s0 =	sand.u32 $0x1, s1  }
0x8c: {  	s17 =	sshll.u32 s0, $0xA;
	s2 =	sadd.s32 s3, s2  }
0x8d: {  	s2 =	sadd.s32 s2, s17  }
0x8e: {  	[smem:$0x3FC7] =	sst s2  }
0x8f: {  	_ = 	snop  }
0x90: {  	s2 =	sld [smem:$0x3FD0];
	(tm) =	ssettm $0x1  }
0x91: {  	s18 =	sld [smem:$0x3FFB];
	_ =	sdelay $0x3  }
0x92: {  	_ =	strace s18  }
0x93: {  	s3 =	sld [smem:$0x3FFC];
	_ =	sdelay $0x3  }
0x94: {  	_ =	strace s3  }
0x95: {  	s3 =	sld [smem:$0x3FFD];
	_ =	sdelay $0x3  }
0x96: {  	_ =	strace s3  }
0x97: {  	_ =	strace $0x8FFFFFFF  }
0x98: {  	s19 =	sld [smem:$0x3FDB];
	_ =	sdelay $0x1  }
0x99: {  	s4 =	simm.s32 $_scs_section_size  }
0x9a: {  	s5 =	simm.s32 $_size__tile_overlayer_lowered;
	s6 =	simm.s32 $_tile_overlayer_lowered  }
0x9b: {  	s22 =	simm.s32 $0x1BFF;
	s21 =	sshll.u32 s6, $0x1;
	s3 =	sadd.s32 s4, s19  }
0x9c: {  	s7 =	simm.s32 $0x0;
	s20 =	sshll.u32 s5, $0x1;
	s5 =	sadd.s32 s21, s3  }
0x9d: {  	[timem:s7], [sflag:s22] =	dma.local [hbm:s5], s20  }
0x9e: {  	_ =	swait.ge [sflag:s22], s20  }
0x9f: {  	s4 =	ssub.s32 $0x0, s20;
	[sflag:s22] =	ssyncset.done $0x0  }
0xa0: {  	[sflag:s22] =	ssyncadd.s32 s4;
	_ =	sdelay $0x1  }
0xa1: {  	s23 =	simm.s32 $0x1B8B  }
0xa2: {  	_ =	swait.ge [sflag:s23], $0x1  }
0xa3: {  	[sflag:s23] =	ssyncset.done $0x0  }
0xa4: {  	s25 =	simm.s32 $0x1B8E;
	s24 =	sld [smem:$0x3FFE];
	[sflag:s23] =	ssyncadd.s32 $0xFFFFFFFF  }
0xa5: {  	s26 =	simm.s32 $execute0_lowered;
	[smem:$0x3FD2] =	sst s25  }
0xa6: {  	s5 =	sshll.u32 s26, $0x1;
	_ =	strace $0x80000046;
	[dreg:$0x1] =	wrdreg $0xFFFFFFFF  }
0xa7: {  	s28 =	simm.s32 $_size_execute0_lowered;
	s3 =	sadd.s32 s3, s5;
	[dreg:$0x0] =	wrdreg $0x0  }
0xa8: {  	s5 =	sshll.u32 s28, $0x1;
	[dreg:$0x2] =	wrdreg s3  }
0xa9: {  	[dreg:$0x3] =	wrdreg s5  }
0xaa: {  	[dreg:$0x4] =	wrdreg $0xC0  }
0xab: {  	_ =	task [dreg:s7], $0x5FFFF  }
0xac: {  	[dreg:$0x1] =	wrdreg $0xFFFFFFFF  }
0xad: {  	[dreg:$0x0] =	wrdreg $0x60  }
0xae: {  	[dreg:$0x2] =	wrdreg s24  }
0xaf: {  	[dreg:$0x3] =	wrdreg s2  }
0xb0: {  	[dreg:$0x4] =	wrdreg $0x9  }
0xb1: {  	_ =	task.clear_ibuf [dreg:s7], $0x5FFFF;
	_ =	strace $0x90000046  }
0xb2: {  	s29 =	simm.s32 $0x9;
	_ =	strace $0x80000048  }
0xb3: {  	_ =	swait.ge [sflag:s29], $0x1  }
0xb4: {  	[sflag:s29] =	ssyncadd.s32 $0xFFFFFFFF  }
0xb5: {  	_ =	strace $0x90000048  }
0xb6: {  	_ =	sfence  }
0xb7: {  	s30 =	sld [smem:$0x0];
	_ =	sdelay $0x2  }
0xb8: {  	s31 =	sshll.u32 s1, $0xD;
	s1 =	sshrl.u32 s1, $0x2  }
0xb9: {  	s3 =	sand.u32 $0x4000, s31;
	s1 =	sadd.s32 s1, s30  }
0xba: {  	s0 =	sor.u32 s3, s0;
	s1 =	sshll.u32 s1, $0x11  }
0xbb: {  	s0 =	sor.u32 s1, s0  }
0xbc: {  	s0 =	sadd.s32 $0x8F2B, s0  }
0xbd: {  	[sflag:s0] =	ssyncadd.remote.s32 $0x1  }
0xbe: {  	_ =	sfence.sel $0xFFFF  }
0xbf: {  	[dreg:$0x0] =	wrdreg $0xFFFFFFFF;
	(pc) =	sbr.abs _section_cstart, $3  }
0xc0: {  	[dreg:$0x1] =	wrdreg $0xFFFFFFFF  }
0xc1: {  	_ =	task.clear_ibuf [dreg:s7], $0x2FFFF;
	_ =	strace $0x9FFFFFFF  }
0xc2: {  	(tm) =	ssettm $0x7FFFFFFF  }
0xc3: {  	_ =	shalt  }
tec
execute0_lowered:
.L_overlay_start_1:
0x0: {  	(tag) =	ssettag $0x1  }
0x1: {  	s2 =	rddreg [dreg:$0x0]  }
0x2: {  	s3 =	rddreg [dreg:$0x1]  }
0x3: {  	s0 =	rddreg [dreg:$0x2];
	s1 =	srdreg.scid;
	_ =	strace $0x80000047  }
0x4: {  	s4 =	simm.s32 $0x1;
	s9 =	simm.s32 $0x3;
	s5 =	sshll.u32 s1, $0x4  }
.Ltmp0:
0x5: {  	s1 =	stileid.u32;
	s5 =	sand.u32 $0x10, s5;
	(pc) =	sbr.rel .LBB2_1-.Ltmp0, $4  }
0x6: {  	s12 =	simm.s32 $0x0;
	s10 =	simm.s32 $0x0;
	s6 =	sor.u32 s1, s5  }
0x7: {  	[sflag:s4] =	ssyncpa.u1 $0x0;
	s5 =	simm.s32 $0x2;
	s6 =	sshll.u32 s6, $0x6  }
0x8: {  	s7 =	sadd.s32 $0x100000, s2;
	[sflag:s5] =	ssyncpa.u1 $0x0;
	s8 =	sadd.s32 $0x40, s6  }
0x9: {  	vm0 =	vmmov $0xff;
	vm1 =	vcmask $0x3F20;
	[sflag:s9] =	ssyncpa.u1 $0x0;
	s9 =	simm.s32 $0x40;
	s11 =	smov.u32 s6  }
.LBB2_9:
0xa: {  	p0 =	seq.s32 s10, $0x2  }
.Ltmp1:
0xb: {  	_ = 	snop;
	(pc) =	sbr.rel @p0 .LBB2_11-.Ltmp1, $1  }
0xc: {  	_ =	sdelay $0x3  }
.LBB2_10:
0xd: {  	s12 =	sadd.s32 $0x40, s11  }
0xe: {  	s13 =	smov.u32 s6;
	p0 =	slt.s32 s12, s8  }
0xf: {  	s13 =	smov.u32 @p0 s12  }
0x10: {  	s10 =	sadd.s32 $0x1, s10;
	s12 =	smov.u32 s11;
	s11 =	smov.u32 s13  }
.LBB2_1:
0x11: {  	p0 =	sne.s32 s10, $0x0  }
.Ltmp2:
0x12: {  	_ = 	snop;
	(pc) =	sbr.rel @!p0 .LBB2_2-.Ltmp2, $1  }
0x13: {  	_ =	sdelay $0x3  }
0x14: {  	s13 =	sand.u32 $0x1, s10  }
0x15: {  	p0 =	seq.s32 s13, $0x0  }
.Ltmp3:
0x16: {  	_ = 	snop;
	(pc) =	sbr.rel @p0 .LBB2_9-.Ltmp3, $1  }
0x17: {  	_ =	sdelay $0x3  }
0x18: {  	_ =	swait.ge [sflag:s5], $0x40  }
0x19: {  	[sflag:s5] =	ssyncset.done $0x0  }
0x1a: {  	s13 =	simm.s32 $0x0;
	[sflag:s5] =	ssyncadd.s32 $0xFFFFFFC0  }
0x1b: {  	v0 =	vld.msk [tilespmem:s13+$0x40 ss:$0x1], $0xffff;
	_ =	sdelay $0x4  }
0x1c: {  	v1 =	vshll.u32 v0, $0x5  }
0x1d: {  	vm2 =	veq.s32 v0, $0x80000000;
	v0 =	vshll.u32 v0, $0x15;
	v1 =	vand.u32 $0x1FFF80, v1  }
0x1e: {  	v0 =	vand.u32 $0x600000, v0;
	v1 =	vsel vm2, $0xFFFFFF80, v1  }
0x1f: {  	v0 =	vsel vm2, $0xFFE00000, v0;
	v2 =	vand.u32 $0xFFFFFC00, v1  }
0x20: {  	v1 =	vand.u32 $0x380, v1;
	v0 =	vadd.s32 v0, v2  }
0x21: {  	v0 =	vor.u32 v1, v0  }
0x22: {  	v0 =	vshrl.u32 v0, $0x3;
	_ =	sdelay $0x3  }
0x23: {  	s13 =	simm.s32 $0x2080  }
0x24: {  	[tilespmem:s13], [sflag:$0x1] =	stream.indirect_vreg.gather [hbm:s2], $0x80, v0, vm0, $0x38;
	[tilespmem:$0x4080] =	vst v63  }
0x25: {  	s14 =	simm.s32 $0x2480;
	s31 =	simm.s32 $0x10  }
0x26: {  	[tilespmem:s14], [sflag:$0x1] =	stream.indirect_vreg.gather [hbm:s2], $0x80, v0, vm1, $0x38;
	[tilespmem:$0x4080] =	vst v63  }
0x27: {  	s14 =	simm.s32 $0x80;
	v0 =	vld.msk [tilespmem:s31+$0x40 ss:$0x1], $0xffff  }
.LBB2_5:
0x28: {  	p0 =	sne.s32 s14, $0xC0;
	_ =	sdelay $0x4  }
0x29: {  	v1 =	vshll.u32 v0, $0x5  }
0x2a: {  	vm2 =	veq.s32 v0, $0x80000000;
	v0 =	vshll.u32 v0, $0x15;
	v1 =	vand.u32 $0x1FFF80, v1  }
0x2b: {  	v0 =	vand.u32 $0x600000, v0;
	v1 =	vsel vm2, $0xFFFFFF80, v1  }
0x2c: {  	v0 =	vsel vm2, $0xFFE00000, v0;
	v2 =	vand.u32 $0xFFFFFC00, v1  }
0x2d: {  	v1 =	vand.u32 $0x380, v1;
	v0 =	vadd.s32 v0, v2  }
0x2e: {  	v0 =	vor.u32 v1, v0  }
0x2f: {  	v0 =	vshrl.u32 v0, $0x3;
	_ =	sdelay $0x3  }
.Ltmp4:
0x30: {  	s13 =	sadd.s32 $0x800, s13;
	(pc) =	sbr.rel @p0 .LBB2_5-.Ltmp4, $4  }
0x31: {  	[tilespmem:s13], [sflag:$0x1] =	stream.indirect_vreg.gather [hbm:s2], $0x80, v0, vm0, $0x38;
	[tilespmem:$0x4080] =	vst v63  }
0x32: {  	s15 =	sshra.s32 s14, $0x2;
	s16 =	sadd.s32 $0x400, s13  }
0x33: {  	[tilespmem:s16], [sflag:$0x1] =	stream.indirect_vreg.gather [hbm:s2], $0x80, v0, vm1, $0x38;
	[tilespmem:$0x4080] =	vst v63  }
0x34: {  	s14 =	sadd.s32 $0x40, s14;
	v0 =	vld.msk [tilespmem:s15+$0x40 ss:$0x1], $0xffff  }
0x35: {  	_ =	sdelay $0x3  }
0x36: {  	v1 =	vshll.u32 v0, $0x5  }
0x37: {  	vm2 =	veq.s32 v0, $0x80000000;
	v63 =	vshll.u32 v0, $0x15;
	v1 =	vand.u32 $0x1FFF80, v1  }
0x38: {  	v0 =	vand.u32 $0x600000, v63;
	v1 =	vsel vm2, $0xFFFFFF80, v1  }
0x39: {  	v0 =	vsel vm2, $0xFFE00000, v0;
	v2 =	vand.u32 $0xFFFFFC00, v1  }
0x3a: {  	v1 =	vand.u32 $0x380, v1;
	v0 =	vadd.s32 v0, v2  }
0x3b: {  	v0 =	vor.u32 v1, v0  }
0x3c: {  	v0 =	vshrl.u32 v0, $0x3;
	_ =	sdelay $0x3  }
0x3d: {  	s13 =	sadd.s32 $0x800, s13  }
0x3e: {  	[tilespmem:s13], [sflag:$0x1] =	stream.indirect_vreg.gather [hbm:s2], $0x80, v0, vm0, $0x38;
	[tilespmem:$0x4080] =	vst v63  }
0x3f: {  	s13 =	sadd.s32 $0x400, s13  }
0x40: {  	[tilespmem:s13], [sflag:$0x1] =	stream.indirect_vreg.gather [hbm:s2], $0x80, v0, vm1, $0x38;
	[tilespmem:$0x4080] =	vst v63  }
0x41: {  	s12 =	sshll.u32 s12, $0x4;
	s14 =	simm.s32 $0x80;
	_ =	swait.ge [sflag:s4], $0x2000  }
0x42: {  	s15 =	simm.s32 $0x2480;
	s12 =	sadd.s32 s12, s7;
	[sflag:s4] =	ssyncset.done $0x0  }
0x43: {  	s16 =	sadd.s32 $0x0, s12;
	s13 =	simm.s32 $0x2080;
	[sflag:s4] =	ssyncadd.s32 $0xFFFFE000  }
.LBB2_7:
0x44: {  	[hbm:s16] =	stream.linear.scatter [tilespmem:s13], [sflag:$0x3], $0x400, $0x38;
	[tilespmem:$0x4080] =	vst v63  }
0x45: {  	s16 =	smov.u32 s14;
	s13 =	smov.u32 s15;
	p0 =	sne.s32 s14, $0x380  }
.Ltmp5:
0x46: {  	s14 =	sadd.s32 $0x80, s14;
	(pc) =	sbr.rel @p0 .LBB2_7-.Ltmp5, $2  }
0x47: {  	_ =	sdelay $0x2  }
0x48: {  	s15 =	sadd.s32 $0x400, s15;
	s16 =	sadd.s32 s16, s12  }
.Ltmp6:
0x49: {  	(pc) =	sbr.rel .LBB2_9-.Ltmp6, $2  }
0x4a: {  	_ =	sdelay $0x2  }
0x4b: {  	[hbm:s16] =	stream.linear.scatter [tilespmem:s13], [sflag:$0x3], $0x400, $0x38;
	[tilespmem:$0x4080] =	vst v63  }
.LBB2_2:
.Ltmp7:
0x4c: {  	(pc) =	sbr.rel .LBB2_10-.Ltmp7, $4  }
0x4d: {  	_ = 	snop  }
0x4e: {  	s12 =	sshrl.u32 s11, $0x3  }
0x4f: {  	s13 =	sand.u32 $0x7, s11;
	s12 =	sadd.s32 s3, s12  }
0x50: {  	[tilespmem:s9], [sflag:$0x2] =	stream.linear.gather [hbm4b:s12+s13], $0x40, $0x38;
	[tilespmem:$0x4080] =	vst v63  }
.LBB2_11:
0x51: {  	s2 =	simm.s32 $0x3  }
0x52: {  	_ =	swait.ge [sflag:s2], $0x2000  }
0x53: {  	[sflag:s2] =	ssyncset.done $0x0  }
0x54: {  	[sflag:s2] =	ssyncadd.s32 $0xFFFFE000  }
0x55: {  	_ =	sfence.sel $0x180000  }
0x56: {  	s3 =	simm.s32 $0x2;
	[bflag:$0x0] =	sbarrier.arrive $0xFFFF  }
0x57: {  	[sflag:s3] =	ssyncpa.u1 $0x1  }
0x58: {  	s31 =	simm.s32 $0x1;
	[sflag:s2] =	ssyncpa.u1 $0x1  }
0x59: {  	[sflag:s31] =	ssyncpa.u1 $0x1  }
0x5a: {  	p0 =	sne.s32 s1, $0x0;
	_ =	strace $0x90000047  }
0x5b: {  	s0 =	sadd.s32 @!p0 $0x100000, s0;
	[bflag:$0x2] =	sbarrier.arrive $0xFFFF  }
0x5c: {  	[sflag:s0] =	ssyncadd.tile.s32 @!p0 $0x1;
	_ =	shalt  }
.Lfunc_end2:
_tile_overlayer_lowered:
.L_overlay_start_2:
0x5d: {  	(tag) =	ssettag $0x2  }
0x5e: {  	s0 =	rddreg [dreg:$0x0];
	s2 =	stileid.u32  }
0x5f: {  	s1 =	rddreg [dreg:$0x1];
	p0 =	sne.s32 s2, $0x0  }
0x60: {  	s3 =	rddreg [dreg:$0x2];
	[bflag:$0x3] =	sbarrier.arrive $0xFFFF;
	s2 =	simm.s32 @!p0 $0x1C01  }
0x61: {  	[timem:s3], [sflag:s2] =	dma.local @!p0 [hbm:s0], s1  }
0x62: {  	s0 =	simm.s32 @!p0 $0x1  }
0x63: {  	_ =	swait.ge @!p0 [sflag:s0], s1  }
0x64: {  	s1 =	ssub.s32 @!p0 $0x0, s1;
	[sflag:s0] =	ssyncset.done @!p0 $0x0  }
0x65: {  	[sflag:s0] =	ssyncadd.s32 @!p0 s1  }
0x66: {  	[bflag:$0x3] =	sbarrier.arrive $0xFFFF  }
0x67: {  	_ =	shalt  }

// kernel: kernel.7.cloned.1.call-start
scs
__scs_entry_jumppad:
0x0: {  	(pc) =	sbr.rel $0x88, $3  }
0x1: {  	(tag) =	ssettag $0x0;
	lr =	simm.s32 $0x1  }
0x2: {  	[smem:$0x3FA0] =	sst lr;
	_ =	strace $0xD0000000  }
0x3: {  	_ = 	snop  }
0x4: {  	_ = 	snop  }
0x5: {  	_ = 	snop  }
0x6: {  	_ = 	snop  }
0x7: {  	_ = 	snop  }
__scs_overlays_trampoline_lowered:
0x8: {  	[smem:$0x3FAF] =	sst s0  }
0x9: {  	[smem:$0x3FB0] =	sst s1  }
0xa: {  	[smem:$0x3FB1] =	sst s2  }
0xb: {  	[smem:$0x3FB2] =	sst s3  }
0xc: {  	[smem:$0x3FB3] =	sst s4  }
0xd: {  	[smem:$0x3FB4] =	sst s5  }
0xe: {  	[smem:$0x3FB5] =	sst s6  }
0xf: {  	[smem:$0x3FB6] =	sst s7  }
0x10: {  	[smem:$0x3FB7] =	sst s8  }
0x11: {  	[smem:$0x3FB8] =	sst s9;
	s0 =	simm.s32 @!p0 $0x0  }
0x12: {  	s1 =	sld [smem:$0x3F9E];
	s0 =	simm.s32 @p0 $0x1  }
0x13: {  	[smem:$0x3FB9] =	sst s0;
	s0 =	simm.s32 @!p1 $0x0  }
0x14: {  	s2 =	sld [smem:$0x3F9D];
	s0 =	simm.s32 @p1 $0x1  }
0x15: {  	[smem:$0x3FBA] =	sst s0;
	s0 =	simm.s32 @!p2 $0x0  }
0x16: {  	s3 =	sld [smem:$0x3FDB];
	s0 =	simm.s32 @p2 $0x1  }
0x17: {  	s4 =	simm.s32 $0x1BF5;
	[smem:$0x3FBC] =	sst s0  }
0x18: {  	s0 =	sld [smem:$0x3F9F];
	_ =	swait.ge [sflag:s4], $0x0  }
0x19: {  	s7 =	sld [smem:$0x3FA0]  }
0x1a: {  	s8 =	sadd.s32 $0xFFFFE003, lr  }
0x1b: {  	s9 =	sadd.s32 $0xFFFFFEF7, lr;
	s5 =	simm.s32 $0xFFFFFFFF;
	p2 =	slt.u32 s8, $0xFFFFF086  }
0x1c: {  	p1 =	slt.u32 s9, $0xF7A;
	s5 =	simm.s32 @!p2 $0x0  }
0x1d: {  	s5 =	simm.s32 @p1 $0x1;
	p0 =	seq.s32 s7, s2  }
0x1e: {  	s7 =	smul.u32 @!p0 $0xF7A, s2;
	p2 =	seq.s32 @!p0 s5, $0x0  }
0x1f: {  	s9 =	smul.u32 $0xF7A, s1;
	s8 =	simm.s32 @!p0 $0x1BF5;
	p2 =	por !p2, p0  }
0x20: {  	[sflag:s8] =	ssyncset.s32 @!p0 $0xFFFFF086;
	s6 =	sadd.s32 @!p0 s3, s7;
	s7 =	simm.s32 @!p0 $0x108  }
0x21: {  	s3 =	sadd.s32 s3, s9;
	s6 =	sadd.s32 @!p0 $0x88, s6;
	s7 =	simm.s32 @p2 $0x1082  }
0x22: {  	[simem:s7], [sflag:s8] =	dma.local @!p0 [hbm:s6], $0xF7A  }
0x23: {  	s9 =	sor.u32 $0xD0000000, s2;
	s6 =	simm.s32 $0x108;
	_ =	swait.ge @!p0 [sflag:s8], $0x0  }
0x24: {  	s3 =	sadd.s32 $0x88, s3;
	s6 =	simm.s32 @!p1 $0x1082;
	[sflag:s4] =	ssyncset.s32 $0xFFFFF086  }
0x25: {  	[simem:s6], [sflag:s4] =	dma.local [hbm:s3], $0xF7A  }
0x26: {  	[smem:$0x3FA0] =	sst s1;
	(tag) =	ssettag s2;
	_ =	strace s9  }
0x27: {  	s1 =	sld [smem:$0x3FB0]  }
0x28: {  	s2 =	sld [smem:$0x3FB1]  }
0x29: {  	s4 =	sld [smem:$0x3FB3]  }
0x2a: {  	p0 =	seq.s32 s5, $0x0;
	s5 =	sld [smem:$0x3FB4]  }
0x2b: {  	s6 =	sld [smem:$0x3FB5]  }
0x2c: {  	s7 =	sld [smem:$0x3FB6]  }
0x2d: {  	s3 =	simm.s32 $0x108;
	s8 =	sld [smem:$0x3FB7]  }
0x2e: {  	s3 =	simm.s32 @!p0 $0x1082;
	s9 =	sld [smem:$0x3FB8]  }
0x2f: {  	lr =	sadd.s32 s0, s3;
	s0 =	sld [smem:$0x3FAF]  }
0x30: {  	s3 =	sld [smem:$0x3FB2]  }
0x31: {  	[smem:$0x3FBB] =	sst s10  }
0x32: {  	s10 =	sld [smem:$0x3FB9];
	_ =	sdelay $0x3  }
0x33: {  	p0 =	seq.s32 s10, $0x1;
	s10 =	sld [smem:$0x3FBB];
	_ =	sdelay $0x3  }
0x34: {  	[smem:$0x3FBB] =	sst s10  }
0x35: {  	s10 =	sld [smem:$0x3FBA];
	_ =	sdelay $0x3  }
0x36: {  	p1 =	seq.s32 s10, $0x1;
	s10 =	sld [smem:$0x3FBB];
	_ =	sdelay $0x3  }
0x37: {  	[smem:$0x3FBB] =	sst s10  }
0x38: {  	s10 =	sld [smem:$0x3FBC]  }
0x39: {  	_ = 	snop;
	(pc) =	sbr.ind lr, $3  }
0x3a: {  	_ = 	snop  }
0x3b: {  	_ = 	snop  }
0x3c: {  	p2 =	seq.s32 s10, $0x1;
	s10 =	sld [smem:$0x3FBB]  }
0x3d: {  	_ =	shalt  }
0x3e: {  	_ =	shalt  }
0x3f: {  	_ =	shalt  }
0x40: {  	_ =	shalt  }
0x41: {  	_ =	shalt  }
0x42: {  	_ =	shalt  }
0x43: {  	_ =	shalt  }
0x44: {  	_ =	shalt  }
0x45: {  	_ =	shalt  }
0x46: {  	_ =	shalt  }
0x47: {  	_ =	shalt  }
0x48: {  	_ =	shalt  }
0x49: {  	_ =	shalt  }
0x4a: {  	_ =	shalt  }
0x4b: {  	_ =	shalt  }
0x4c: {  	_ =	shalt  }
0x4d: {  	_ =	shalt  }
0x4e: {  	_ =	shalt  }
0x4f: {  	_ =	shalt  }
0x50: {  	_ =	shalt  }
0x51: {  	_ =	shalt  }
0x52: {  	_ =	shalt  }
0x53: {  	_ =	shalt  }
0x54: {  	_ =	shalt  }
0x55: {  	_ =	shalt  }
0x56: {  	_ =	shalt  }
0x57: {  	_ =	shalt  }
0x58: {  	_ =	shalt  }
0x59: {  	_ =	shalt  }
0x5a: {  	_ =	shalt  }
0x5b: {  	_ =	shalt  }
0x5c: {  	_ =	shalt  }
0x5d: {  	_ =	shalt  }
0x5e: {  	_ =	shalt  }
0x5f: {  	_ =	shalt  }
0x60: {  	_ =	shalt  }
0x61: {  	_ =	shalt  }
0x62: {  	_ =	shalt  }
0x63: {  	_ =	shalt  }
0x64: {  	_ =	shalt  }
0x65: {  	_ =	shalt  }
0x66: {  	_ =	shalt  }
0x67: {  	_ =	shalt  }
0x68: {  	_ =	shalt  }
0x69: {  	_ =	shalt  }
0x6a: {  	_ =	shalt  }
0x6b: {  	_ =	shalt  }
0x6c: {  	_ =	shalt  }
0x6d: {  	_ =	shalt  }
0x6e: {  	_ =	shalt  }
0x6f: {  	_ =	shalt  }
0x70: {  	_ =	shalt  }
0x71: {  	_ =	shalt  }
0x72: {  	_ =	shalt  }
0x73: {  	_ =	shalt  }
0x74: {  	_ =	shalt  }
0x75: {  	_ =	shalt  }
0x76: {  	_ =	shalt  }
0x77: {  	_ =	shalt  }
0x78: {  	_ =	shalt  }
0x79: {  	_ =	shalt  }
0x7a: {  	_ =	shalt  }
0x7b: {  	_ =	shalt  }
0x7c: {  	_ =	shalt  }
0x7d: {  	_ =	shalt  }
0x7e: {  	_ =	shalt  }
0x7f: {  	_ =	shalt  }
0x80: {  	_ =	shalt  }
0x81: {  	_ =	shalt  }
0x82: {  	_ =	shalt  }
0x83: {  	_ =	shalt  }
0x84: {  	_ =	shalt  }
0x85: {  	_ =	shalt  }
0x86: {  	_ =	shalt  }
0x87: {  	_ =	shalt  }
.Lfunc_end0:
.L_simem_size_0:
called_computation.1_lowered:
.L_overlay_start_0:
0x88: {  	s2 =	sld [smem:$0x3FD9]  }
0x89: {  	s3 =	sld [smem:$0x3FFE];
	_ =	sdelay $0x1  }
0x8a: {  	s1 =	srdreg.scid  }
0x8b: {  	s0 =	sand.u32 $0x1, s1  }
0x8c: {  	s17 =	sshll.u32 s0, $0xA;
	s2 =	sadd.s32 s3, s2  }
0x8d: {  	s2 =	sadd.s32 s2, s17  }
0x8e: {  	[smem:$0x3FC7] =	sst s2  }
0x8f: {  	_ = 	snop  }
0x90: {  	s2 =	sld [smem:$0x3FD0];
	(tm) =	ssettm $0x1  }
0x91: {  	s18 =	sld [smem:$0x3FFB];
	_ =	sdelay $0x3  }
0x92: {  	_ =	strace s18  }
0x93: {  	s3 =	sld [smem:$0x3FFC];
	_ =	sdelay $0x3  }
0x94: {  	_ =	strace s3  }
0x95: {  	s3 =	sld [smem:$0x3FFD];
	_ =	sdelay $0x3  }
0x96: {  	_ =	strace s3  }
0x97: {  	_ =	strace $0x8FFFFFFF  }
0x98: {  	s19 =	sld [smem:$0x3FDB];
	_ =	sdelay $0x1  }
0x99: {  	s4 =	simm.s32 $_scs_section_size  }
0x9a: {  	s5 =	simm.s32 $_size__tile_overlayer_lowered;
	s6 =	simm.s32 $_tile_overlayer_lowered  }
0x9b: {  	s22 =	simm.s32 $0x1BFF;
	s21 =	sshll.u32 s6, $0x1;
	s3 =	sadd.s32 s4, s19  }
0x9c: {  	s7 =	simm.s32 $0x0;
	s20 =	sshll.u32 s5, $0x1;
	s5 =	sadd.s32 s21, s3  }
0x9d: {  	[timem:s7], [sflag:s22] =	dma.local [hbm:s5], s20  }
0x9e: {  	_ =	swait.ge [sflag:s22], s20  }
0x9f: {  	s4 =	ssub.s32 $0x0, s20;
	[sflag:s22] =	ssyncset.done $0x0  }
0xa0: {  	[sflag:s22] =	ssyncadd.s32 s4;
	_ =	sdelay $0x1  }
0xa1: {  	s23 =	simm.s32 $0x1B8B  }
0xa2: {  	_ =	swait.ge [sflag:s23], $0x1  }
0xa3: {  	[sflag:s23] =	ssyncset.done $0x0  }
0xa4: {  	s25 =	simm.s32 $0x1B8E;
	s24 =	sld [smem:$0x3FFE];
	[sflag:s23] =	ssyncadd.s32 $0xFFFFFFFF  }
0xa5: {  	s26 =	simm.s32 $execute0_lowered;
	[smem:$0x3FD2] =	sst s25  }
0xa6: {  	s5 =	sshll.u32 s26, $0x1;
	_ =	strace $0x80000049;
	[dreg:$0x1] =	wrdreg $0xFFFFFFFF  }
0xa7: {  	s28 =	simm.s32 $_size_execute0_lowered;
	s3 =	sadd.s32 s3, s5;
	[dreg:$0x0] =	wrdreg $0x0  }
0xa8: {  	s5 =	sshll.u32 s28, $0x1;
	[dreg:$0x2] =	wrdreg s3  }
0xa9: {  	[dreg:$0x3] =	wrdreg s5  }
0xaa: {  	[dreg:$0x4] =	wrdreg $0xC0  }
0xab: {  	_ =	task [dreg:s7], $0x5FFFF  }
0xac: {  	[dreg:$0x1] =	wrdreg $0xFFFFFFFF  }
0xad: {  	[dreg:$0x0] =	wrdreg $0x60  }
0xae: {  	[dreg:$0x2] =	wrdreg s24  }
0xaf: {  	[dreg:$0x3] =	wrdreg s2  }
0xb0: {  	[dreg:$0x4] =	wrdreg $0x9  }
0xb1: {  	_ =	task.clear_ibuf [dreg:s7], $0x5FFFF;
	_ =	strace $0x90000049  }
0xb2: {  	s29 =	simm.s32 $0x9;
	_ =	strace $0x8000004B  }
0xb3: {  	_ =	swait.ge [sflag:s29], $0x1  }
0xb4: {  	[sflag:s29] =	ssyncadd.s32 $0xFFFFFFFF  }
0xb5: {  	_ =	strace $0x9000004B  }
0xb6: {  	_ =	sfence  }
0xb7: {  	s30 =	sld [smem:$0x0];
	_ =	sdelay $0x2  }
0xb8: {  	s31 =	sshll.u32 s1, $0xD;
	s1 =	sshrl.u32 s1, $0x2  }
0xb9: {  	s3 =	sand.u32 $0x4000, s31;
	s1 =	sadd.s32 s1, s30  }
0xba: {  	s0 =	sor.u32 s3, s0;
	s1 =	sshll.u32 s1, $0x11  }
0xbb: {  	s0 =	sor.u32 s1, s0  }
0xbc: {  	s0 =	sadd.s32 $0x8F2B, s0  }
0xbd: {  	[sflag:s0] =	ssyncadd.remote.s32 $0x1  }
0xbe: {  	_ =	sfence.sel $0xFFFF  }
0xbf: {  	[dreg:$0x0] =	wrdreg $0xFFFFFFFF;
	(pc) =	sbr.abs _section_cstart, $3  }
0xc0: {  	[dreg:$0x1] =	wrdreg $0xFFFFFFFF  }
0xc1: {  	_ =	task.clear_ibuf [dreg:s7], $0x2FFFF;
	_ =	strace $0x9FFFFFFF  }
0xc2: {  	(tm) =	ssettm $0x7FFFFFFF  }
0xc3: {  	_ =	shalt  }
tec
execute0_lowered:
.L_overlay_start_1:
0x0: {  	(tag) =	ssettag $0x1  }
0x1: {  	s9 =	rddreg [dreg:$0x0]  }
0x2: {  	s12 =	rddreg [dreg:$0x1];
	s1 =	stileid.u32  }
0x3: {  	s0 =	rddreg [dreg:$0x2];
	s3 =	simm.s32 $0x1;
	s4 =	simm.s32 $0x1  }
0x4: {  	s5 =	simm.s32 $0x1;
	s2 =	simm.s32 $0x0;
	s14 =	srdreg.scid  }
0x5: {  	p0 =	sgt.u32 s1, $0x4;
	[smem:$0x7FF] =	sst s2;
	s15 =	sand.u32 $0x1, s14  }
0x6: {  	s16 =	sshll.u32 s1, $0x1;
	s11 =	sadd.s32 $0x108000, s9;
	s13 =	sadd.s32 $0x2000, s9  }
0x7: {  	s3 =	simm.s32 @!p0 $0x0;
	p0 =	sgt.u32 s1, $0x9;
	_ =	strace $0x8000004A  }
0x8: {  	s7 =	ssub.s32 $0x2, s15;
	s4 =	simm.s32 @!p0 $0x0;
	p0 =	seq.s32 s1, $0xF  }
0x9: {  	s8 =	sor.u32 s15, s16;
	s3 =	sadd.s32 s4, s3;
	s5 =	simm.s32 @!p0 $0x0  }
0xa: {  	s17 =	sshrl.u32 s7, $0x1;
	s26 =	sadd.s32 $0x2, s8;
	s6 =	sadd.s32 s5, s3  }
0xb: {  	s14 =	ssub.s32 s7, s17;
	s4 =	simm.s32 $0x1;
	s5 =	smul.u32 $0xFFFFFFF6, s6  }
0xc: {  	s28 =	smin.u32 s26, $0x8;
	s14 =	smax.u32 s14, $0x1;
	s15 =	sshll.u32 s6, $0x10  }
0xd: {  	s20 =	sshll.u32 s6, $0xB;
	s16 =	sshll.u32 s6, $0xD;
	s19 =	sadd.s32 s8, s5  }
0xe: {  	s25 =	sshll.u32 s6, $0x6;
	p0 =	slt.s32 s19, $0x4;
	p2 =	sgt.s32 s19, $0x1  }
0xf: {  	s3 =	smov.u32 s19;
	p3 =	slt.s32 s19, $0x9;
	p1 =	slt.s32 s19, $0x7  }
0x10: {  	s5 =	smov.u32 s19;
	s22 =	sshll.u32 s19, $0x9;
	s17 =	sshll.u32 s19, $0x7  }
0x11: {  	s3 =	simm.s32 @!p2 $0x1;
	s4 =	simm.s32 @!p3 $0x2;
	p2 =	slt.s32 s19, $0x8  }
0x12: {  	s24 =	sand.u32 $0x380, s17;
	p3 =	seq.s32 s8, $0x7;
	s17 =	simm.s32 $0x2  }
0x13: {  	s7 =	sadd.s32 $0xFFFFFFFF, s3;
	s4 =	simm.s32 @p1 $0x0;
	s3 =	simm.s32 $0x1  }
0x14: {  	s5 =	simm.s32 @!p2 $0x8;
	p2 =	slt.u32 s8, $0x5;
	s17 =	simm.s32 @!p3 $0x1  }
0x15: {  	p3 =	sgt.u32 s1, $0x3;
	s4 =	smov.u32 @p0 s7;
	s7 =	sadd.s32 $0xFFFFFFFC, s19  }
0x16: {  	s10 =	sadd.s32 $0xFFFFFFFA, s5;
	s17 =	simm.s32 @p2 $0x0;
	s18 =	sshll.u32 s4, $0xE  }
0x17: {  	s4 =	sshll.u32 s4, $0x7;
	s10 =	smov.u32 @p1 s7;
	p1 =	seq.s32 s1, $0x0  }
0x18: {  	s5 =	sand.u32 $0x7FFF0000, s18;
	s4 =	sand.u32 $0x180, s4;
	s10 =	simm.s32 @p0 $0x0  }
0x19: {  	s18 =	sadd.s32 $0xFFFFFFFE, s8;
	s5 =	sadd.s32 s15, s5;
	s21 =	sshll.u32 s10, $0xE  }
0x1a: {  	s10 =	sshll.u32 s10, $0x7;
	s5 =	sor.u32 s4, s5;
	s4 =	sadd.s32 s9, s20  }
0x1b: {  	s7 =	sand.u32 $0xFFFF0000, s21;
	s10 =	sand.u32 $0x180, s10;
	s9 =	sadd.s32 $0x1800, s9  }
0x1c: {  	s20 =	sshll.u32 s26, $0x6;
	s21 =	simm.s32 $0x400;
	s5 =	sshrl.u32 s5, $0x3  }
0x1d: {  	s7 =	sadd.s32 s15, s7;
	s15 =	sand.u32 $0xFFFFF000, s22;
	s31 =	sand.u32 $0x200, s20  }
0x1e: {  	s20 =	simm.s32 $0xE480;
	s22 =	simm.s32 $0xE680;
	s5 =	sadd.s32 s11, s5  }
0x1f: {  	s7 =	sor.u32 s10, s7;
	s23 =	sadd.s32 s16, s15;
	s16 =	sadd.s32 $0xFFFFFFFA, s28  }
0x20: {  	s15 =	sshll.u32 s26, $0x4;
	s7 =	sshrl.u32 s7, $0x3;
	s10 =	sor.u32 s24, s23  }
0x21: {  	s16 =	smov.u32 @p2 s18;
	s18 =	sadd.s32 $0x1, s8;
	s15 =	sand.u32 $0x70, s15  }
0x22: {  	p2 =	seq.s32 s19, $0x0;
	s19 =	simm.s32 $0xC000;
	s23 =	simm.s32 $0x0  }
0x23: {  	s6 =	sadd.s32 s11, s7;
	s7 =	sadd.s32 s12, s25;
	s10 =	sshrl.u32 s10, $0x3  }
0x24: {  	s16 =	simm.s32 @p1 $0x0;
	s17 =	smov.u32 @p1 s18;
	s15 =	sor.u32 s15, s31  }
0x25: {  	s12 =	sadd.s32 $0xC0, s12;
	s8 =	sadd.s32 s13, s10;
	s29 =	sshll.u32 s17, $0xB  }
0x26: {  	s17 =	sshll.u32 s17, $0x4;
	s30 =	sshll.u32 s16, $0xE;
	s16 =	sshll.u32 s16, $0x7  }
0x27: {  	s13 =	sadd.s32 s15, s13;
	s15 =	simm.s32 $0x80;
	s10 =	sand.u32 $0x1E000, s29  }
.Ltmp0:
0x28: {  	s18 =	sand.u32 $0xFFFF0000, s30;
	s16 =	sand.u32 $0x180, s16;
	(pc) =	sbr.rel .LBB2_1-.Ltmp0, $4  }
0x29: {  	s17 =	sand.u32 $0x30, s17;
	s13 =	sadd.s32 $0xC00, s13;
	s16 =	sor.u32 s16, s18  }
0x2a: {  	s10 =	sadd.s32 s10, s11;
	s18 =	simm.s32 $0x8000;
	s16 =	sadd.s32 $0x30000, s16  }
0x2b: {  	s10 =	sadd.s32 s17, s10;
	s17 =	simm.s32 $0x4000;
	s16 =	sshrl.u32 s16, $0x3  }
0x2c: {  	v0 =	vimm.f32 $0.0e+00;
	s10 =	sadd.s32 $0x6000, s10;
	s11 =	sadd.s32 s11, s16;
	s16 =	simm.s32 $0x200  }
.LBB2_14:
0x2d: {  	v2 =	vld [tilespmem:s25+$0xE480];
	_ =	sdelay $0x6  }
0x2e: {  	[tilespmem:s24+$0xE680] =	vst v1  }
0x2f: {  	v1 =	vld.idx.msk [tilespmem:v2+s19+$0x0], $0xffff;
	_ =	sdelay $0x4  }
0x30: {  	[tilespmem:s25+$0xE680] =	vst v1  }
0x31: {  	[hbm4b:s13+s15] =	stream.strided.scatter [tilespmem:s22], [sflag:$0x1], $0x200, s21, s15, $0x38;
	[tilespmem:$0xE880] =	vst v63  }
0x32: {  	_ =	swait.ge [sflag:s3], $0x200  }
0x33: {  	[sflag:s3] =	ssyncset.done $0x0  }
0x34: {  	[sflag:s3] =	ssyncadd.s32 $0xFFFFFE00  }
.LBB2_15:
0x35: {  	s23 =	sadd.s32 $0x1, s23  }
0x36: {  	p4 =	sne.s32 s23, s14  }
.Ltmp1:
0x37: {  	_ = 	snop;
	(pc) =	sbr.rel @!p4 .LBB2_16-.Ltmp1, $1  }
0x38: {  	_ =	sdelay $0x3  }
.LBB2_1:
0x39: {  	[tilespmem:s2], [sflag:$0x1] =	stream.linear.gather [hbm4b:s4+s2], $0x4000, $0x38;
	[tilespmem:$0xE880] =	vst v63  }
0x3a: {  	_ =	swait.ge [sflag:s3], $0x4000  }
0x3b: {  	[sflag:s3] =	ssyncset.done $0x0  }
0x3c: {  	[sflag:s3] =	ssyncadd.s32 $0xFFFFC000  }
0x3d: {  	[tilespmem:s17], [sflag:$0x1] =	stream.strided.gather [hbm4b:s5+s15], $0x4000, s16, s15, $0x38;
	[tilespmem:$0xE880] =	vst v63  }
0x3e: {  	_ =	swait.ge [sflag:s3], $0x4000  }
0x3f: {  	[sflag:s3] =	ssyncset.done $0x0  }
0x40: {  	[sflag:s3] =	ssyncadd.s32 $0xFFFFC000  }
0x41: {  	[tilespmem:s18], [sflag:$0x1] =	stream.strided.gather [hbm4b:s6+s15], $0x4000, s16, s15, $0x38;
	[tilespmem:$0xE880] =	vst v63  }
0x42: {  	_ =	swait.ge [sflag:s3], $0x4000  }
0x43: {  	[sflag:s3] =	ssyncset.done $0x0  }
0x44: {  	s24 =	simm.s32 $0x0;
	[sflag:s3] =	ssyncadd.s32 $0xFFFFC000  }
.LBB2_2:
0x45: {  	p4 =	sne.s32 s24, $0x9080  }
.Ltmp2:
0x46: {  	_ = 	snop;
	(pc) =	sbr.rel @p4 .LBB2_2-.Ltmp2, $3  }
0x47: {  	_ =	sdelay $0x1  }
0x48: {  	s25 =	sshra.s32 s24, $0x2  }
0x49: {  	s24 =	sadd.s32 $0x40, s24;
	[tilespmem:s25+$0xC000] =	vst v0  }
0x4a: {  	s25 =	simm.s32 $0x0  }
0x4b: {  	s24 =	simm.s32 $0x40;
	v1 =	vld [tilespmem:s25+$0x4000]  }
.LBB2_4:
0x4c: {  	p4 =	sne.s32 s24, $0xFFC0;
	v2 =	vld [tilespmem:s25+$0x8000]  }
0x4d: {  	v3 =	vld [tilespmem:s25+$0x0];
	_ =	sdelay $0x3  }
0x4e: {  	v2 =	vmul.f32 v2, v1  }
.Ltmp3:
0x4f: {  	(pc) =	sbr.rel @p4 .LBB2_4-.Ltmp3, $4  }
0x50: {  	v1 =	vpsel p0, v1, v2  }
0x51: {  	v1 =	vpsel p2, $0x3F800000, v1  }
0x52: {  	s25 =	sshra.s32 s24, $0x2;
	[tilespmem:v3+s19+$0x0] =	vst.idx.add.f32.msk $0xffff, v1  }
0x53: {  	s24 =	sadd.s32 $0x40, s24;
	v1 =	vld [tilespmem:s25+$0x4000]  }
0x54: {  	v2 =	vld [tilespmem:s25+$0x8000]  }
0x55: {  	v3 =	vld [tilespmem:s25+$0x0];
	_ =	sdelay $0x3  }
0x56: {  	v2 =	vmul.f32 v2, v1;
	_ =	sdelay $0x1  }
0x57: {  	v1 =	vpsel p0, v1, v2  }
0x58: {  	v1 =	vpsel p2, $0x3F800000, v1  }
0x59: {  	s24 =	simm.s32 $0x0;
	[tilespmem:v3+s19+$0x0] =	vst.idx.add.f32.msk $0xffff, v1  }
0x5a: {  	[tilespmem:s20], [sflag:$0x1] =	stream.linear.gather [hbm4b:s7+s24], $0x200, $0x38;
	[tilespmem:$0xE880] =	vst v63  }
0x5b: {  	_ =	swait.ge [sflag:s3], $0x200  }
0x5c: {  	[sflag:s3] =	ssyncset.done $0x0  }
0x5d: {  	s24 =	simm.s32 $0x0;
	[sflag:s3] =	ssyncadd.s32 $0xFFFFFE00  }
0x5e: {  	v1 =	vld [tilespmem:s24+$0xE480];
	_ =	sdelay $0x7  }
0x5f: {  	s25 =	simm.s32 $0x10;
	s26 =	simm.s32 $0x80;
	v1 =	vld.idx.msk [tilespmem:v1+s19+$0x0], $0xffff  }
.LBB2_6:
0x60: {  	p4 =	sne.s32 s26, $0x7C0;
	v2 =	vld [tilespmem:s25+$0xE480];
	_ =	sdelay $0x3  }
.Ltmp4:
0x61: {  	(pc) =	sbr.rel @p4 .LBB2_6-.Ltmp4, $2  }
0x62: {  	[tilespmem:s24+$0xE680] =	vst v1;
	s24 =	smov.u32 s25;
	_ =	sdelay $0x2  }
0x63: {  	s25 =	sshra.s32 s26, $0x2;
	s26 =	sadd.s32 $0x40, s26;
	v1 =	vld.idx.msk [tilespmem:v2+s19+$0x0], $0xffff  }
0x64: {  	v2 =	vld [tilespmem:s25+$0xE480];
	_ =	sdelay $0x6  }
0x65: {  	[tilespmem:s24+$0xE680] =	vst v1  }
0x66: {  	v1 =	vld.idx.msk [tilespmem:v2+s19+$0x0], $0xffff;
	_ =	sdelay $0x4  }
.Ltmp5:
0x67: {  	[tilespmem:s25+$0xE680] =	vst v1;
	(pc) =	sbr.rel @p3 .LBB2_15-.Ltmp5, $4  }
0x68: {  	[hbm4b:s8+s15] =	stream.strided.scatter [tilespmem:s22], [sflag:$0x1], $0x200, s21, s15, $0x38;
	[tilespmem:$0xE880] =	vst v63  }
0x69: {  	_ =	swait.ge [sflag:s3], $0x200  }
0x6a: {  	[sflag:s3] =	ssyncset.done $0x0  }
0x6b: {  	[sflag:s3] =	ssyncadd.s32 $0xFFFFFE00  }
0x6c: {  	s24 =	simm.s32 $0x0  }
0x6d: {  	[tilespmem:s24], [sflag:$0x1] =	stream.linear.gather [hbm4b:s9+s24], $0x4000, $0x38;
	[tilespmem:$0xE880] =	vst v63  }
0x6e: {  	_ =	swait.ge [sflag:s3], $0x4000  }
0x6f: {  	[sflag:s3] =	ssyncset.done $0x0  }
0x70: {  	[sflag:s3] =	ssyncadd.s32 $0xFFFFC000  }
0x71: {  	[tilespmem:s17], [sflag:$0x1] =	stream.strided.gather [hbm4b:s10+s15], $0x4000, s16, s15, $0x38;
	[tilespmem:$0xE880] =	vst v63  }
0x72: {  	_ =	swait.ge [sflag:s3], $0x4000  }
0x73: {  	[sflag:s3] =	ssyncset.done $0x0  }
0x74: {  	[sflag:s3] =	ssyncadd.s32 $0xFFFFC000  }
0x75: {  	[tilespmem:s18], [sflag:$0x1] =	stream.strided.gather [hbm4b:s11+s15], $0x4000, s16, s15, $0x38;
	[tilespmem:$0xE880] =	vst v63  }
0x76: {  	_ =	swait.ge [sflag:s3], $0x4000  }
0x77: {  	[sflag:s3] =	ssyncset.done $0x0  }
0x78: {  	s25 =	simm.s32 $0x0;
	s24 =	simm.s32 $0x40;
	[sflag:s3] =	ssyncadd.s32 $0xFFFFC000  }
.LBB2_9:
0x79: {  	p4 =	sne.s32 s24, $0x9080;
	[tilespmem:s25+$0xC000] =	vst v0;
	s25 =	smov.u32 s24;
	s24 =	sadd.s32 $0x40, s24  }
.Ltmp6:
0x7a: {  	(pc) =	sbr.rel @p4 .LBB2_9-.Ltmp6, $2  }
0x7b: {  	_ =	sdelay $0x2  }
0x7c: {  	s25 =	sshra.s32 s25, $0x2  }
0x7d: {  	[tilespmem:s25+$0xC000] =	vst v0;
	s25 =	simm.s32 $0x0  }
0x7e: {  	v1 =	vld [tilespmem:s25+$0x0]  }
0x7f: {  	s24 =	simm.s32 $0x40;
	v2 =	vld [tilespmem:s25+$0x4000]  }
.LBB2_11:
0x80: {  	p4 =	sne.s32 s24, $0xFFC0;
	v3 =	vld [tilespmem:s25+$0x8000];
	_ =	sdelay $0x4  }
0x81: {  	v3 =	vmul.f32 v3, v2  }
.Ltmp7:
0x82: {  	(pc) =	sbr.rel @p4 .LBB2_11-.Ltmp7, $4  }
0x83: {  	v2 =	vpsel p1, v2, v3  }
0x84: {  	s25 =	sshra.s32 s24, $0x2;
	[tilespmem:v1+s19+$0x0] =	vst.idx.add.f32.msk $0xffff, v2  }
0x85: {  	v1 =	vld [tilespmem:s25+$0x0]  }
0x86: {  	s24 =	sadd.s32 $0x40, s24;
	v2 =	vld [tilespmem:s25+$0x4000]  }
0x87: {  	v3 =	vld [tilespmem:s25+$0x8000];
	_ =	sdelay $0x4  }
0x88: {  	v3 =	vmul.f32 v3, v2;
	_ =	sdelay $0x1  }
0x89: {  	v2 =	vpsel p1, v2, v3  }
0x8a: {  	s24 =	simm.s32 $0x0;
	[tilespmem:v1+s19+$0x0] =	vst.idx.add.f32.msk $0xffff, v2  }
0x8b: {  	[tilespmem:s20], [sflag:$0x1] =	stream.linear.gather [hbm4b:s12+s24], $0x200, $0x38;
	[tilespmem:$0xE880] =	vst v63  }
0x8c: {  	_ =	swait.ge [sflag:s3], $0x200  }
0x8d: {  	[sflag:s3] =	ssyncset.done $0x0  }
0x8e: {  	s24 =	simm.s32 $0x0;
	[sflag:s3] =	ssyncadd.s32 $0xFFFFFE00  }
0x8f: {  	v1 =	vld [tilespmem:s24+$0xE480];
	_ =	sdelay $0x7  }
0x90: {  	s25 =	simm.s32 $0x10;
	s26 =	simm.s32 $0x80;
	v1 =	vld.idx.msk [tilespmem:v1+s19+$0x0], $0xffff  }
.LBB2_13:
0x91: {  	p4 =	sne.s32 s26, $0x7C0;
	v2 =	vld [tilespmem:s25+$0xE480];
	_ =	sdelay $0x3  }
.Ltmp8:
0x92: {  	(pc) =	sbr.rel @p4 .LBB2_13-.Ltmp8, $2  }
0x93: {  	[tilespmem:s24+$0xE680] =	vst v1;
	s24 =	smov.u32 s25;
	_ =	sdelay $0x2  }
0x94: {  	s25 =	sshra.s32 s26, $0x2;
	s26 =	sadd.s32 $0x40, s26;
	v1 =	vld.idx.msk [tilespmem:v2+s19+$0x0], $0xffff  }
.Ltmp9:
0x95: {  	_ = 	snop;
	(pc) =	sbr.rel .LBB2_14-.Ltmp9, $1  }
0x96: {  	_ =	sdelay $0x3  }
.LBB2_16:
0x97: {  	_ =	sfence.sel $0x180000  }
0x98: {  	[bflag:$0x0] =	sbarrier.arrive $0xFFFF  }
0x99: {  	p0 =	sne.s32 s1, $0x0;
	_ =	strace $0x9000004A  }
0x9a: {  	s0 =	sadd.s32 @!p0 $0x100000, s0;
	[bflag:$0x2] =	sbarrier.arrive $0xFFFF  }
0x9b: {  	[sflag:s0] =	ssyncadd.tile.s32 @!p0 $0x1;
	_ =	shalt  }
.Lfunc_end2:
_tile_overlayer_lowered:
.L_overlay_start_2:
0x9c: {  	(tag) =	ssettag $0x2  }
0x9d: {  	s0 =	rddreg [dreg:$0x0];
	s2 =	stileid.u32  }
0x9e: {  	s1 =	rddreg [dreg:$0x1];
	p0 =	sne.s32 s2, $0x0  }
0x9f: {  	s3 =	rddreg [dreg:$0x2];
	[bflag:$0x3] =	sbarrier.arrive $0xFFFF;
	s2 =	simm.s32 @!p0 $0x1C01  }
0xa0: {  	[timem:s3], [sflag:s2] =	dma.local @!p0 [hbm:s0], s1  }
0xa1: {  	s0 =	simm.s32 @!p0 $0x1  }
0xa2: {  	_ =	swait.ge @!p0 [sflag:s0], s1  }
0xa3: {  	s1 =	ssub.s32 @!p0 $0x0, s1;
	[sflag:s0] =	ssyncset.done @!p0 $0x0  }
0xa4: {  	[sflag:s0] =	ssyncadd.s32 @!p0 s1  }
0xa5: {  	[bflag:$0x3] =	sbarrier.arrive $0xFFFF  }
0xa6: {  	_ =	shalt  }

</sc_bundles>
